<compile_context>
chip_gen: v7x
topology: tpu7x:2x2x1
jax: 0.10.2.dev20260603
libtpu: 0.0.44.dev20260713+nightly
codegen_flags: <defaults>
</compile_context>

<pallas_src>
import functools
import math

import jax
import jax.numpy as jnp
from jax import lax
from jax.experimental import pallas as pl
from jax.experimental.pallas import tpu as pltpu
from jax.experimental.pallas import tpu_sc as plsc

D_MODEL = 32
SCALE = math.sqrt(float(D_MODEL))

NUM_CORES = 2
NUM_SUBCORES = 16
NUM_WORKERS = NUM_CORES * NUM_SUBCORES
LANES = 16

S_CHUNK = 4
NRING = 2


@functools.lru_cache(maxsize=None)
def _build(seq_len: int, batch: int):
    assert batch % NUM_WORKERS == 0
    bpw = batch // NUM_WORKERS
    rows_per_step = S_CHUNK * bpw
    nsteps = seq_len // S_CHUNK
    assert seq_len % S_CHUNK == 0
    nslices = rows_per_step // LANES

    mesh = plsc.VectorSubcoreMesh(core_axis_name="c", subcore_axis_name="s")

    @functools.partial(
        pl.kernel,
        mesh=mesh,
        out_type=jax.ShapeDtypeStruct((seq_len, D_MODEL, batch), jnp.float32),
        scratch_types=[pltpu.VMEM((seq_len, bpw), jnp.int32)]
        + [pltpu.VMEM((rows_per_step, D_MODEL), jnp.float32) for _ in range(NRING)]
        + [pltpu.VMEM((S_CHUNK * D_MODEL, bpw), jnp.float32) for _ in range(NRING)]
        + [pltpu.SemaphoreType.DMA for _ in range(2 * NRING)],
        compiler_params=pltpu.CompilerParams(
            use_tc_tiling_on_sc=False, needs_layout_passes=False),
    )
    def gather_kernel(idx_hbm, table_hbm, out_hbm, idx_all, *scratch):
        rows = scratch[:NRING]
        plane = scratch[NRING:2 * NRING]
        gsem = scratch[2 * NRING:3 * NRING]
        ssem = scratch[3 * NRING:]
        wid = lax.axis_index("s") * NUM_CORES + lax.axis_index("c")
        b0 = wid * bpw

        pltpu.sync_copy(idx_hbm.at[:, pl.ds(b0, bpw)], idx_all)

        def fetch(i, slot):
            for k in range(S_CHUNK):
                pltpu.async_copy(
                    table_hbm.at[idx_all.at[i * S_CHUNK + k]],
                    rows[slot].at[pl.ds(k * bpw, bpw)], gsem[slot])

        def wait_gather(i, slot):
            for k in range(S_CHUNK):
                pltpu.make_async_copy(
                    table_hbm.at[idx_all.at[i * S_CHUNK + k]],
                    rows[slot].at[pl.ds(k * bpw, bpw)], gsem[slot]).wait()

        def store(i, slot):
            for k in range(S_CHUNK):
                pltpu.async_copy(
                    plane[slot].at[pl.ds(k * D_MODEL, D_MODEL)],
                    out_hbm.at[i * S_CHUNK + k, :, pl.ds(b0, bpw)],
                    ssem[slot])

        def wait_store(i, slot):
            for k in range(S_CHUNK):
                pltpu.make_async_copy(
                    plane[slot].at[pl.ds(k * D_MODEL, D_MODEL)],
                    out_hbm.at[i * S_CHUNK + k, :, pl.ds(b0, bpw)],
                    ssem[slot]).wait()

        lane_iota = lax.iota(jnp.int32, LANES)
        cols = [jnp.full((LANES,), d, dtype=jnp.int32) for d in range(D_MODEL)]
        groups_per_plane = bpw // LANES

        def transpose_scale(slot):
            @functools.partial(plsc.parallel_loop, 0, nslices, unroll=2)
            def body(i):
                ridx = lane_iota + i * LANES
                row0 = (i // groups_per_plane) * D_MODEL
                g16 = (i % groups_per_plane) * LANES
                for d in range(D_MODEL):
                    v = plsc.load_gather(rows[slot], [ridx, cols[d]])
                    plane[slot][row0 + d, pl.ds(g16, LANES)] = v * SCALE

            plsc.subcore_barrier()

        def step(i, slot, head=False, tail=False):
            wait_gather(i, slot)
            if not head:
                wait_store(i - NRING, slot)
            transpose_scale(slot)
            store(i, slot)
            if not tail:
                fetch(i + NRING, slot)

        fetch(0, 0)
        fetch(1, 1)
        step(0, 0, head=True)
        step(1, 1, head=True)

        n_steady = nsteps - 2 * NRING
        assert n_steady % 2 == 0

        def steady(p, carry):
            i = NRING + p * 2
            step(i, 0)
            step(i + 1, 1)
            return carry

        lax.fori_loop(0, n_steady // 2, steady, 0)

        step(nsteps - 2, 0, tail=True)
        step(nsteps - 1, 1, tail=True)

        wait_store(nsteps - 2, 0)
        wait_store(nsteps - 1, 1)

    return gather_kernel


def kernel(inputs, embedding_matrix):
    b, s = inputs.shape
    idx = inputs.T.astype(jnp.int32)
    out_t = _build(s, b)(idx, embedding_matrix)
    return jnp.transpose(out_t, (2, 0, 1))

# --- scband reference (transcript-rebuilt; emitter-appended) ---
"""Pipeline reference for scband-embedding-layer-67740224193338 (READ-ONLY COPY).

The authoritative reference and input builder live on the scoring server;
editing this copy changes nothing except your own understanding.
"""

import jax, jax.numpy as jnp
import numpy as np

VOCAB = 1000000
D_MODEL = 32

def setup_inputs(seed: int = 0) -> dict:
    key = jax.random.key(seed)
    k1, k2 = jax.random.split(key)
    inputs = jax.random.randint(k1, (4096, 200), 0, VOCAB, dtype=jnp.int64 if jax.config.jax_enable_x64 else jnp.int32)
    # glorot_uniform init for embedding matrix
    limit = float(np.sqrt(6.0 / (VOCAB + D_MODEL)))
    embedding_matrix = jax.random.uniform(k2, (VOCAB, D_MODEL), dtype=jnp.float32, minval=-limit, maxval=limit)
    return {"inputs": inputs, "embedding_matrix": embedding_matrix}

def reference(inputs, embedding_matrix):
    # K.gather(embedding_matrix, inputs)
    output = jnp.take(embedding_matrix, inputs, axis=0)
    # scale by sqrt(d_model)
    output = output * (D_MODEL ** 0.5)
    return output

if __name__ == "__main__":
    import jax
    _d = setup_inputs()
    print(jax.jit(kernel)(*tuple(_d.values())))

</pallas_src>

<mosaic_0001>
#map = affine_map<(d0, d1) -> (0, 0)>
#map1 = affine_map<(d0, d1) -> (0, 0, 0)>
module attributes {stable_mosaic.version = 14 : i64} {
  func.func @gather_kernel(%arg0: i32, %arg1: i32, %arg2: memref<200x4096xi32, #tpu.memory_space<hbm>>, %arg3: memref<1000000x32xf32, #tpu.memory_space<hbm>>, %arg4: memref<200x32x4096xf32, #tpu.memory_space<hbm>>, %arg5: memref<200x128xi32, #tpu.memory_space<vmem>>, %arg6: memref<512x32xf32, #tpu.memory_space<vmem>>, %arg7: memref<512x32xf32, #tpu.memory_space<vmem>>, %arg8: memref<128x128xf32, #tpu.memory_space<vmem>>, %arg9: memref<128x128xf32, #tpu.memory_space<vmem>>, %arg10: memref<!tpu.dma_semaphore, #tpu.memory_space<semaphore_mem>>, %arg11: memref<!tpu.dma_semaphore, #tpu.memory_space<semaphore_mem>>, %arg12: memref<!tpu.dma_semaphore, #tpu.memory_space<semaphore_mem>>, %arg13: memref<!tpu.dma_semaphore, #tpu.memory_space<semaphore_mem>>) attributes {dimension_semantics = [#tpu.dimension_semantics<core_parallel>, #tpu.dimension_semantics<subcore_parallel>], iteration_bounds = array<i64: 2, 16>, scalar_prefetch = 0 : i64, scratch_operands = 9 : i64, tpu.core_type = #tpu.core_type<sc_vector_subcore>, window_params = [{transform_indices = #map}, {transform_indices = #map}, {transform_indices = #map1}]} {
    %mul3A = arith.constant 2 : i32
    %mul3A_0 = arith.muli %arg1, %mul3A : i32
    %add3A = arith.addi %mul3A_0, %arg0 : i32
    %mul3A_1 = arith.constant 128 : i32
    %mul3A_2 = arith.muli %add3A, %mul3A_1 : i32
    "tpu.region"() ({
      %run_scoped3A = tpu.sem_alloc : memref<!tpu.dma_semaphore, #tpu.memory_space<semaphore_mem>>
      %dma_start3A_808 = arith.constant 0 : i32
      %dma_start3A_809 = tpu.memref_slice %arg2[%dma_start3A_808, %mul3A_2] : memref<200x4096xi32, #tpu.memory_space<hbm>> -> memref<200x128xi32, #tpu.memory_space<hbm>>
      %dma_start3A_810 = arith.constant 0 : i32
      %dma_start3A_811 = tpu.memref_slice %arg2[%dma_start3A_810, %mul3A_2] : memref<200x4096xi32, #tpu.memory_space<hbm>> -> memref<200x128xi32, #tpu.memory_space<hbm>>
      tpu.enqueue_dma source(%dma_start3A_811 : memref<200x128xi32, #tpu.memory_space<hbm>>) target(%arg5 : memref<200x128xi32, #tpu.memory_space<vmem>>) target_semaphore(%run_scoped3A : memref<!tpu.dma_semaphore, #tpu.memory_space<semaphore_mem>>)
      %dma_wait3A_812 = arith.constant 0 : i32
      %dma_wait3A_813 = tpu.memref_slice %arg2[%dma_wait3A_812, %mul3A_2] : memref<200x4096xi32, #tpu.memory_space<hbm>> -> memref<200x128xi32, #tpu.memory_space<hbm>>
      %dma_wait3A_814 = arith.constant 0 : i32
      %dma_wait3A_815 = tpu.memref_slice %arg2[%dma_wait3A_814, %mul3A_2] : memref<200x4096xi32, #tpu.memory_space<hbm>> -> memref<200x128xi32, #tpu.memory_space<hbm>>
      tpu.wait_dma2 semaphore(%run_scoped3A : memref<!tpu.dma_semaphore, #tpu.memory_space<semaphore_mem>>) src(%dma_wait3A_815 : memref<200x128xi32, #tpu.memory_space<hbm>>) dst(%arg5 : memref<200x128xi32, #tpu.memory_space<vmem>>)
      tpu.yield
    }) : () -> ()
    %iota3A = tpu.iota {dimensions = array<i32: 0>} : vector<16xi32>
    %broadcast_in_dim3A = arith.constant 0 : i32
    %broadcast_in_dim3A_3 = vector.broadcast %broadcast_in_dim3A : i32 to vector<16xi32>
    %broadcast_in_dim3A_4 = arith.constant 1 : i32
    %broadcast_in_dim3A_5 = vector.broadcast %broadcast_in_dim3A_4 : i32 to vector<16xi32>
    %broadcast_in_dim3A_6 = arith.constant 2 : i32
    %broadcast_in_dim3A_7 = vector.broadcast %broadcast_in_dim3A_6 : i32 to vector<16xi32>
    %broadcast_in_dim3A_8 = arith.constant 3 : i32
    %broadcast_in_dim3A_9 = vector.broadcast %broadcast_in_dim3A_8 : i32 to vector<16xi32>
    %broadcast_in_dim3A_10 = arith.constant 4 : i32
    %broadcast_in_dim3A_11 = vector.broadcast %broadcast_in_dim3A_10 : i32 to vector<16xi32>
    %broadcast_in_dim3A_12 = arith.constant 5 : i32
    %broadcast_in_dim3A_13 = vector.broadcast %broadcast_in_dim3A_12 : i32 to vector<16xi32>
    %broadcast_in_dim3A_14 = arith.constant 6 : i32
    %broadcast_in_dim3A_15 = vector.broadcast %broadcast_in_dim3A_14 : i32 to vector<16xi32>
    %broadcast_in_dim3A_16 = arith.constant 7 : i32
    %broadcast_in_dim3A_17 = vector.broadcast %broadcast_in_dim3A_16 : i32 to vector<16xi32>
    %broadcast_in_dim3A_18 = arith.constant 8 : i32
    %broadcast_in_dim3A_19 = vector.broadcast %broadcast_in_dim3A_18 : i32 to vector<16xi32>
    %broadcast_in_dim3A_20 = arith.constant 9 : i32
    %broadcast_in_dim3A_21 = vector.broadcast %broadcast_in_dim3A_20 : i32 to vector<16xi32>
    %broadcast_in_dim3A_22 = arith.constant 10 : i32
    %broadcast_in_dim3A_23 = vector.broadcast %broadcast_in_dim3A_22 : i32 to vector<16xi32>
    %broadcast_in_dim3A_24 = arith.constant 11 : i32
    %broadcast_in_dim3A_25 = vector.broadcast %broadcast_in_dim3A_24 : i32 to vector<16xi32>
    %broadcast_in_dim3A_26 = arith.constant 12 : i32
    %broadcast_in_dim3A_27 = vector.broadcast %broadcast_in_dim3A_26 : i32 to vector<16xi32>
    %broadcast_in_dim3A_28 = arith.constant 13 : i32
    %broadcast_in_dim3A_29 = vector.broadcast %broadcast_in_dim3A_28 : i32 to vector<16xi32>
    %broadcast_in_dim3A_30 = arith.constant 14 : i32
    %broadcast_in_dim3A_31 = vector.broadcast %broadcast_in_dim3A_30 : i32 to vector<16xi32>
    %broadcast_in_dim3A_32 = arith.constant 15 : i32
    %broadcast_in_dim3A_33 = vector.broadcast %broadcast_in_dim3A_32 : i32 to vector<16xi32>
    %broadcast_in_dim3A_34 = arith.constant 16 : i32
    %broadcast_in_dim3A_35 = vector.broadcast %broadcast_in_dim3A_34 : i32 to vector<16xi32>
    %broadcast_in_dim3A_36 = arith.constant 17 : i32
    %broadcast_in_dim3A_37 = vector.broadcast %broadcast_in_dim3A_36 : i32 to vector<16xi32>
    %broadcast_in_dim3A_38 = arith.constant 18 : i32
    %broadcast_in_dim3A_39 = vector.broadcast %broadcast_in_dim3A_38 : i32 to vector<16xi32>
    %broadcast_in_dim3A_40 = arith.constant 19 : i32
    %broadcast_in_dim3A_41 = vector.broadcast %broadcast_in_dim3A_40 : i32 to vector<16xi32>
    %broadcast_in_dim3A_42 = arith.constant 20 : i32
    %broadcast_in_dim3A_43 = vector.broadcast %broadcast_in_dim3A_42 : i32 to vector<16xi32>
    %broadcast_in_dim3A_44 = arith.constant 21 : i32
    %broadcast_in_dim3A_45 = vector.broadcast %broadcast_in_dim3A_44 : i32 to vector<16xi32>
    %broadcast_in_dim3A_46 = arith.constant 22 : i32
    %broadcast_in_dim3A_47 = vector.broadcast %broadcast_in_dim3A_46 : i32 to vector<16xi32>
    %broadcast_in_dim3A_48 = arith.constant 23 : i32
    %broadcast_in_dim3A_49 = vector.broadcast %broadcast_in_dim3A_48 : i32 to vector<16xi32>
    %broadcast_in_dim3A_50 = arith.constant 24 : i32
    %broadcast_in_dim3A_51 = vector.broadcast %broadcast_in_dim3A_50 : i32 to vector<16xi32>
    %broadcast_in_dim3A_52 = arith.constant 25 : i32
    %broadcast_in_dim3A_53 = vector.broadcast %broadcast_in_dim3A_52 : i32 to vector<16xi32>
    %broadcast_in_dim3A_54 = arith.constant 26 : i32
    %broadcast_in_dim3A_55 = vector.broadcast %broadcast_in_dim3A_54 : i32 to vector<16xi32>
    %broadcast_in_dim3A_56 = arith.constant 27 : i32
    %broadcast_in_dim3A_57 = vector.broadcast %broadcast_in_dim3A_56 : i32 to vector<16xi32>
    %broadcast_in_dim3A_58 = arith.constant 28 : i32
    %broadcast_in_dim3A_59 = vector.broadcast %broadcast_in_dim3A_58 : i32 to vector<16xi32>
    %broadcast_in_dim3A_60 = arith.constant 29 : i32
    %broadcast_in_dim3A_61 = vector.broadcast %broadcast_in_dim3A_60 : i32 to vector<16xi32>
    %broadcast_in_dim3A_62 = arith.constant 30 : i32
    %broadcast_in_dim3A_63 = vector.broadcast %broadcast_in_dim3A_62 : i32 to vector<16xi32>
    %broadcast_in_dim3A_64 = arith.constant 31 : i32
    %broadcast_in_dim3A_65 = vector.broadcast %broadcast_in_dim3A_64 : i32 to vector<16xi32>
    %dma_start3A = arith.constant 0 : i32
    %dma_start3A_66 = arith.constant 0 : i32
    %dma_start3A_67 = arith.constant 0 : i32
    %dma_start3A_68 = tpu.memref_slice %arg6[%dma_start3A_66, %dma_start3A_67] : memref<512x32xf32, #tpu.memory_space<vmem>> -> memref<128x32xf32, #tpu.memory_space<vmem>>
    %dma_start3A_69 = arith.constant 0 : i32
    %dma_start3A_70 = tpu.memref_slice %arg5[%dma_start3A, %dma_start3A_69] : memref<200x128xi32, #tpu.memory_space<vmem>> -> memref<1x128xi32, #tpu.memory_space<vmem>>
    %dma_start3A_71 = tpu.memref_squeeze %dma_start3A_70 : memref<1x128xi32, #tpu.memory_space<vmem>> -> memref<128xi32, #tpu.memory_space<vmem>>
    %dma_start3A_72 = arith.constant 0 : i32
    %dma_start3A_73 = arith.constant 0 : i32
    %dma_start3A_74 = tpu.memref_slice %arg3[%dma_start3A_72, %dma_start3A_73] : memref<1000000x32xf32, #tpu.memory_space<hbm>> -> memref<1000000x32xf32, #tpu.memory_space<hbm>>
    tpu.enqueue_indirect_dma source(%dma_start3A_74 : memref<1000000x32xf32, #tpu.memory_space<hbm>>) target(%dma_start3A_68 : memref<128x32xf32, #tpu.memory_space<vmem>>) offsets(%dma_start3A_71 : memref<128xi32, #tpu.memory_space<vmem>>) semaphore(%arg10 : memref<!tpu.dma_semaphore, #tpu.memory_space<semaphore_mem>>)
    %dma_start3A_75 = arith.constant 1 : i32
    %dma_start3A_76 = arith.constant 128 : i32
    %dma_start3A_77 = arith.constant 0 : i32
    %dma_start3A_78 = tpu.memref_slice %arg6[%dma_start3A_76, %dma_start3A_77] : memref<512x32xf32, #tpu.memory_space<vmem>> -> memref<128x32xf32, #tpu.memory_space<vmem>>
    %dma_start3A_79 = arith.constant 0 : i32
    %dma_start3A_80 = tpu.memref_slice %arg5[%dma_start3A_75, %dma_start3A_79] : memref<200x128xi32, #tpu.memory_space<vmem>> -> memref<1x128xi32, #tpu.memory_space<vmem>>
    %dma_start3A_81 = tpu.memref_squeeze %dma_start3A_80 : memref<1x128xi32, #tpu.memory_space<vmem>> -> memref<128xi32, #tpu.memory_space<vmem>>
    %dma_start3A_82 = arith.constant 0 : i32
    %dma_start3A_83 = arith.constant 0 : i32
    %dma_start3A_84 = tpu.memref_slice %arg3[%dma_start3A_82, %dma_start3A_83] : memref<1000000x32xf32, #tpu.memory_space<hbm>> -> memref<1000000x32xf32, #tpu.memory_space<hbm>>
    tpu.enqueue_indirect_dma source(%dma_start3A_84 : memref<1000000x32xf32, #tpu.memory_space<hbm>>) target(%dma_start3A_78 : memref<128x32xf32, #tpu.memory_space<vmem>>) offsets(%dma_start3A_81 : memref<128xi32, #tpu.memory_space<vmem>>) semaphore(%arg10 : memref<!tpu.dma_semaphore, #tpu.memory_space<semaphore_mem>>)
    %dma_start3A_85 = arith.constant 2 : i32
    %dma_start3A_86 = arith.constant 256 : i32
    %dma_start3A_87 = arith.constant 0 : i32
    %dma_start3A_88 = tpu.memref_slice %arg6[%dma_start3A_86, %dma_start3A_87] : memref<512x32xf32, #tpu.memory_space<vmem>> -> memref<128x32xf32, #tpu.memory_space<vmem>>
    %dma_start3A_89 = arith.constant 0 : i32
    %dma_start3A_90 = tpu.memref_slice %arg5[%dma_start3A_85, %dma_start3A_89] : memref<200x128xi32, #tpu.memory_space<vmem>> -> memref<1x128xi32, #tpu.memory_space<vmem>>
    %dma_start3A_91 = tpu.memref_squeeze %dma_start3A_90 : memref<1x128xi32, #tpu.memory_space<vmem>> -> memref<128xi32, #tpu.memory_space<vmem>>
    %dma_start3A_92 = arith.constant 0 : i32
    %dma_start3A_93 = arith.constant 0 : i32
    %dma_start3A_94 = tpu.memref_slice %arg3[%dma_start3A_92, %dma_start3A_93] : memref<1000000x32xf32, #tpu.memory_space<hbm>> -> memref<1000000x32xf32, #tpu.memory_space<hbm>>
    tpu.enqueue_indirect_dma source(%dma_start3A_94 : memref<1000000x32xf32, #tpu.memory_space<hbm>>) target(%dma_start3A_88 : memref<128x32xf32, #tpu.memory_space<vmem>>) offsets(%dma_start3A_91 : memref<128xi32, #tpu.memory_space<vmem>>) semaphore(%arg10 : memref<!tpu.dma_semaphore, #tpu.memory_space<semaphore_mem>>)
    %dma_start3A_95 = arith.constant 3 : i32
    %dma_start3A_96 = arith.constant 384 : i32
    %dma_start3A_97 = arith.constant 0 : i32
    %dma_start3A_98 = tpu.memref_slice %arg6[%dma_start3A_96, %dma_start3A_97] : memref<512x32xf32, #tpu.memory_space<vmem>> -> memref<128x32xf32, #tpu.memory_space<vmem>>
    %dma_start3A_99 = arith.constant 0 : i32
    %dma_start3A_100 = tpu.memref_slice %arg5[%dma_start3A_95, %dma_start3A_99] : memref<200x128xi32, #tpu.memory_space<vmem>> -> memref<1x128xi32, #tpu.memory_space<vmem>>
    %dma_start3A_101 = tpu.memref_squeeze %dma_start3A_100 : memref<1x128xi32, #tpu.memory_space<vmem>> -> memref<128xi32, #tpu.memory_space<vmem>>
    %dma_start3A_102 = arith.constant 0 : i32
    %dma_start3A_103 = arith.constant 0 : i32
    %dma_start3A_104 = tpu.memref_slice %arg3[%dma_start3A_102, %dma_start3A_103] : memref<1000000x32xf32, #tpu.memory_space<hbm>> -> memref<1000000x32xf32, #tpu.memory_space<hbm>>
    tpu.enqueue_indirect_dma source(%dma_start3A_104 : memref<1000000x32xf32, #tpu.memory_space<hbm>>) target(%dma_start3A_98 : memref<128x32xf32, #tpu.memory_space<vmem>>) offsets(%dma_start3A_101 : memref<128xi32, #tpu.memory_space<vmem>>) semaphore(%arg10 : memref<!tpu.dma_semaphore, #tpu.memory_space<semaphore_mem>>)
    %dma_start3A_105 = arith.constant 4 : i32
    %dma_start3A_106 = arith.constant 0 : i32
    %dma_start3A_107 = arith.constant 0 : i32
    %dma_start3A_108 = tpu.memref_slice %arg7[%dma_start3A_106, %dma_start3A_107] : memref<512x32xf32, #tpu.memory_space<vmem>> -> memref<128x32xf32, #tpu.memory_space<vmem>>
    %dma_start3A_109 = arith.constant 0 : i32
    %dma_start3A_110 = tpu.memref_slice %arg5[%dma_start3A_105, %dma_start3A_109] : memref<200x128xi32, #tpu.memory_space<vmem>> -> memref<1x128xi32, #tpu.memory_space<vmem>>
    %dma_start3A_111 = tpu.memref_squeeze %dma_start3A_110 : memref<1x128xi32, #tpu.memory_space<vmem>> -> memref<128xi32, #tpu.memory_space<vmem>>
    %dma_start3A_112 = arith.constant 0 : i32
    %dma_start3A_113 = arith.constant 0 : i32
    %dma_start3A_114 = tpu.memref_slice %arg3[%dma_start3A_112, %dma_start3A_113] : memref<1000000x32xf32, #tpu.memory_space<hbm>> -> memref<1000000x32xf32, #tpu.memory_space<hbm>>
    tpu.enqueue_indirect_dma source(%dma_start3A_114 : memref<1000000x32xf32, #tpu.memory_space<hbm>>) target(%dma_start3A_108 : memref<128x32xf32, #tpu.memory_space<vmem>>) offsets(%dma_start3A_111 : memref<128xi32, #tpu.memory_space<vmem>>) semaphore(%arg11 : memref<!tpu.dma_semaphore, #tpu.memory_space<semaphore_mem>>)
    %dma_start3A_115 = arith.constant 5 : i32
    %dma_start3A_116 = arith.constant 128 : i32
    %dma_start3A_117 = arith.constant 0 : i32
    %dma_start3A_118 = tpu.memref_slice %arg7[%dma_start3A_116, %dma_start3A_117] : memref<512x32xf32, #tpu.memory_space<vmem>> -> memref<128x32xf32, #tpu.memory_space<vmem>>
    %dma_start3A_119 = arith.constant 0 : i32
    %dma_start3A_120 = tpu.memref_slice %arg5[%dma_start3A_115, %dma_start3A_119] : memref<200x128xi32, #tpu.memory_space<vmem>> -> memref<1x128xi32, #tpu.memory_space<vmem>>
    %dma_start3A_121 = tpu.memref_squeeze %dma_start3A_120 : memref<1x128xi32, #tpu.memory_space<vmem>> -> memref<128xi32, #tpu.memory_space<vmem>>
    %dma_start3A_122 = arith.constant 0 : i32
    %dma_start3A_123 = arith.constant 0 : i32
    %dma_start3A_124 = tpu.memref_slice %arg3[%dma_start3A_122, %dma_start3A_123] : memref<1000000x32xf32, #tpu.memory_space<hbm>> -> memref<1000000x32xf32, #tpu.memory_space<hbm>>
    tpu.enqueue_indirect_dma source(%dma_start3A_124 : memref<1000000x32xf32, #tpu.memory_space<hbm>>) target(%dma_start3A_118 : memref<128x32xf32, #tpu.memory_space<vmem>>) offsets(%dma_start3A_121 : memref<128xi32, #tpu.memory_space<vmem>>) semaphore(%arg11 : memref<!tpu.dma_semaphore, #tpu.memory_space<semaphore_mem>>)
    %dma_start3A_125 = arith.constant 6 : i32
    %dma_start3A_126 = arith.constant 256 : i32
    %dma_start3A_127 = arith.constant 0 : i32
    %dma_start3A_128 = tpu.memref_slice %arg7[%dma_start3A_126, %dma_start3A_127] : memref<512x32xf32, #tpu.memory_space<vmem>> -> memref<128x32xf32, #tpu.memory_space<vmem>>
    %dma_start3A_129 = arith.constant 0 : i32
    %dma_start3A_130 = tpu.memref_slice %arg5[%dma_start3A_125, %dma_start3A_129] : memref<200x128xi32, #tpu.memory_space<vmem>> -> memref<1x128xi32, #tpu.memory_space<vmem>>
    %dma_start3A_131 = tpu.memref_squeeze %dma_start3A_130 : memref<1x128xi32, #tpu.memory_space<vmem>> -> memref<128xi32, #tpu.memory_space<vmem>>
    %dma_start3A_132 = arith.constant 0 : i32
    %dma_start3A_133 = arith.constant 0 : i32
    %dma_start3A_134 = tpu.memref_slice %arg3[%dma_start3A_132, %dma_start3A_133] : memref<1000000x32xf32, #tpu.memory_space<hbm>> -> memref<1000000x32xf32, #tpu.memory_space<hbm>>
    tpu.enqueue_indirect_dma source(%dma_start3A_134 : memref<1000000x32xf32, #tpu.memory_space<hbm>>) target(%dma_start3A_128 : memref<128x32xf32, #tpu.memory_space<vmem>>) offsets(%dma_start3A_131 : memref<128xi32, #tpu.memory_space<vmem>>) semaphore(%arg11 : memref<!tpu.dma_semaphore, #tpu.memory_space<semaphore_mem>>)
    %dma_start3A_135 = arith.constant 7 : i32
    %dma_start3A_136 = arith.constant 384 : i32
    %dma_start3A_137 = arith.constant 0 : i32
    %dma_start3A_138 = tpu.memref_slice %arg7[%dma_start3A_136, %dma_start3A_137] : memref<512x32xf32, #tpu.memory_space<vmem>> -> memref<128x32xf32, #tpu.memory_space<vmem>>
    %dma_start3A_139 = arith.constant 0 : i32
    %dma_start3A_140 = tpu.memref_slice %arg5[%dma_start3A_135, %dma_start3A_139] : memref<200x128xi32, #tpu.memory_space<vmem>> -> memref<1x128xi32, #tpu.memory_space<vmem>>
    %dma_start3A_141 = tpu.memref_squeeze %dma_start3A_140 : memref<1x128xi32, #tpu.memory_space<vmem>> -> memref<128xi32, #tpu.memory_space<vmem>>
    %dma_start3A_142 = arith.constant 0 : i32
    %dma_start3A_143 = arith.constant 0 : i32
    %dma_start3A_144 = tpu.memref_slice %arg3[%dma_start3A_142, %dma_start3A_143] : memref<1000000x32xf32, #tpu.memory_space<hbm>> -> memref<1000000x32xf32, #tpu.memory_space<hbm>>
    tpu.enqueue_indirect_dma source(%dma_start3A_144 : memref<1000000x32xf32, #tpu.memory_space<hbm>>) target(%dma_start3A_138 : memref<128x32xf32, #tpu.memory_space<vmem>>) offsets(%dma_start3A_141 : memref<128xi32, #tpu.memory_space<vmem>>) semaphore(%arg11 : memref<!tpu.dma_semaphore, #tpu.memory_space<semaphore_mem>>)
    %dma_wait3A = arith.constant 0 : i32
    %dma_wait3A_145 = arith.constant 0 : i32
    %dma_wait3A_146 = arith.constant 0 : i32
    %dma_wait3A_147 = tpu.memref_slice %arg6[%dma_wait3A_145, %dma_wait3A_146] : memref<512x32xf32, #tpu.memory_space<vmem>> -> memref<128x32xf32, #tpu.memory_space<vmem>>
    %dma_wait3A_148 = arith.constant 0 : i32
    %dma_wait3A_149 = tpu.memref_slice %arg5[%dma_wait3A, %dma_wait3A_148] : memref<200x128xi32, #tpu.memory_space<vmem>> -> memref<1x128xi32, #tpu.memory_space<vmem>>
    %dma_wait3A_150 = tpu.memref_squeeze %dma_wait3A_149 : memref<1x128xi32, #tpu.memory_space<vmem>> -> memref<128xi32, #tpu.memory_space<vmem>>
    %dma_wait3A_151 = arith.constant 0 : i32
    %dma_wait3A_152 = arith.constant 0 : i32
    %dma_wait3A_153 = tpu.memref_slice %arg3[%dma_wait3A_151, %dma_wait3A_152] : memref<1000000x32xf32, #tpu.memory_space<hbm>> -> memref<1000000x32xf32, #tpu.memory_space<hbm>>
    tpu.wait_indirect_dma semaphore(%arg10 : memref<!tpu.dma_semaphore, #tpu.memory_space<semaphore_mem>>) src(%dma_wait3A_153 : memref<1000000x32xf32, #tpu.memory_space<hbm>>) dst(%dma_wait3A_147 : memref<128x32xf32, #tpu.memory_space<vmem>>)
    %dma_wait3A_154 = arith.constant 1 : i32
    %dma_wait3A_155 = arith.constant 128 : i32
    %dma_wait3A_156 = arith.constant 0 : i32
    %dma_wait3A_157 = tpu.memref_slice %arg6[%dma_wait3A_155, %dma_wait3A_156] : memref<512x32xf32, #tpu.memory_space<vmem>> -> memref<128x32xf32, #tpu.memory_space<vmem>>
    %dma_wait3A_158 = arith.constant 0 : i32
    %dma_wait3A_159 = tpu.memref_slice %arg5[%dma_wait3A_154, %dma_wait3A_158] : memref<200x128xi32, #tpu.memory_space<vmem>> -> memref<1x128xi32, #tpu.memory_space<vmem>>
    %dma_wait3A_160 = tpu.memref_squeeze %dma_wait3A_159 : memref<1x128xi32, #tpu.memory_space<vmem>> -> memref<128xi32, #tpu.memory_space<vmem>>
    %dma_wait3A_161 = arith.constant 0 : i32
    %dma_wait3A_162 = arith.constant 0 : i32
    %dma_wait3A_163 = tpu.memref_slice %arg3[%dma_wait3A_161, %dma_wait3A_162] : memref<1000000x32xf32, #tpu.memory_space<hbm>> -> memref<1000000x32xf32, #tpu.memory_space<hbm>>
    tpu.wait_indirect_dma semaphore(%arg10 : memref<!tpu.dma_semaphore, #tpu.memory_space<semaphore_mem>>) src(%dma_wait3A_163 : memref<1000000x32xf32, #tpu.memory_space<hbm>>) dst(%dma_wait3A_157 : memref<128x32xf32, #tpu.memory_space<vmem>>)
    %dma_wait3A_164 = arith.constant 2 : i32
    %dma_wait3A_165 = arith.constant 256 : i32
    %dma_wait3A_166 = arith.constant 0 : i32
    %dma_wait3A_167 = tpu.memref_slice %arg6[%dma_wait3A_165, %dma_wait3A_166] : memref<512x32xf32, #tpu.memory_space<vmem>> -> memref<128x32xf32, #tpu.memory_space<vmem>>
    %dma_wait3A_168 = arith.constant 0 : i32
    %dma_wait3A_169 = tpu.memref_slice %arg5[%dma_wait3A_164, %dma_wait3A_168] : memref<200x128xi32, #tpu.memory_space<vmem>> -> memref<1x128xi32, #tpu.memory_space<vmem>>
    %dma_wait3A_170 = tpu.memref_squeeze %dma_wait3A_169 : memref<1x128xi32, #tpu.memory_space<vmem>> -> memref<128xi32, #tpu.memory_space<vmem>>
    %dma_wait3A_171 = arith.constant 0 : i32
    %dma_wait3A_172 = arith.constant 0 : i32
    %dma_wait3A_173 = tpu.memref_slice %arg3[%dma_wait3A_171, %dma_wait3A_172] : memref<1000000x32xf32, #tpu.memory_space<hbm>> -> memref<1000000x32xf32, #tpu.memory_space<hbm>>
    tpu.wait_indirect_dma semaphore(%arg10 : memref<!tpu.dma_semaphore, #tpu.memory_space<semaphore_mem>>) src(%dma_wait3A_173 : memref<1000000x32xf32, #tpu.memory_space<hbm>>) dst(%dma_wait3A_167 : memref<128x32xf32, #tpu.memory_space<vmem>>)
    %dma_wait3A_174 = arith.constant 3 : i32
    %dma_wait3A_175 = arith.constant 384 : i32
    %dma_wait3A_176 = arith.constant 0 : i32
    %dma_wait3A_177 = tpu.memref_slice %arg6[%dma_wait3A_175, %dma_wait3A_176] : memref<512x32xf32, #tpu.memory_space<vmem>> -> memref<128x32xf32, #tpu.memory_space<vmem>>
    %dma_wait3A_178 = arith.constant 0 : i32
    %dma_wait3A_179 = tpu.memref_slice %arg5[%dma_wait3A_174, %dma_wait3A_178] : memref<200x128xi32, #tpu.memory_space<vmem>> -> memref<1x128xi32, #tpu.memory_space<vmem>>
    %dma_wait3A_180 = tpu.memref_squeeze %dma_wait3A_179 : memref<1x128xi32, #tpu.memory_space<vmem>> -> memref<128xi32, #tpu.memory_space<vmem>>
    %dma_wait3A_181 = arith.constant 0 : i32
    %dma_wait3A_182 = arith.constant 0 : i32
    %dma_wait3A_183 = tpu.memref_slice %arg3[%dma_wait3A_181, %dma_wait3A_182] : memref<1000000x32xf32, #tpu.memory_space<hbm>> -> memref<1000000x32xf32, #tpu.memory_space<hbm>>
    tpu.wait_indirect_dma semaphore(%arg10 : memref<!tpu.dma_semaphore, #tpu.memory_space<semaphore_mem>>) src(%dma_wait3A_183 : memref<1000000x32xf32, #tpu.memory_space<hbm>>) dst(%dma_wait3A_177 : memref<128x32xf32, #tpu.memory_space<vmem>>)
    %barrier3A = arith.constant 0 : index
    tpu.barrier barrier_id(%barrier3A)
    %dma_start3A_184 = arith.constant 0 : i32
    %dma_start3A_185 = arith.constant 0 : i32
    %dma_start3A_186 = arith.constant 0 : i32
    %dma_start3A_187 = tpu.memref_slice %arg8[%dma_start3A_185, %dma_start3A_186] : memref<128x128xf32, #tpu.memory_space<vmem>> -> memref<32x128xf32, #tpu.memory_space<vmem>>
    %dma_start3A_188 = arith.constant 0 : i32
    %dma_start3A_189 = tpu.memref_slice %arg4[%dma_start3A_184, %dma_start3A_188, %mul3A_2] : memref<200x32x4096xf32, #tpu.memory_space<hbm>> -> memref<1x32x128xf32, #tpu.memory_space<hbm>>
    %dma_start3A_190 = tpu.memref_squeeze %dma_start3A_189 : memref<1x32x128xf32, #tpu.memory_space<hbm>> -> memref<32x128xf32, #tpu.memory_space<hbm>>
    %dma_start3A_191 = arith.constant 0 : i32
    %dma_start3A_192 = tpu.memref_slice %arg4[%dma_start3A_184, %dma_start3A_191, %mul3A_2] : memref<200x32x4096xf32, #tpu.memory_space<hbm>> -> memref<1x32x128xf32, #tpu.memory_space<hbm>>
    %dma_start3A_193 = tpu.memref_squeeze %dma_start3A_192 : memref<1x32x128xf32, #tpu.memory_space<hbm>> -> memref<32x128xf32, #tpu.memory_space<hbm>>
    %dma_start3A_194 = arith.constant 0 : i32
    %dma_start3A_195 = arith.constant 0 : i32
    %dma_start3A_196 = tpu.memref_slice %arg8[%dma_start3A_194, %dma_start3A_195] : memref<128x128xf32, #tpu.memory_space<vmem>> -> memref<32x128xf32, #tpu.memory_space<vmem>>
    tpu.enqueue_dma source(%dma_start3A_196 : memref<32x128xf32, #tpu.memory_space<vmem>>) target(%dma_start3A_193 : memref<32x128xf32, #tpu.memory_space<hbm>>) target_semaphore(%arg12 : memref<!tpu.dma_semaphore, #tpu.memory_space<semaphore_mem>>)
    %dma_start3A_197 = arith.constant 1 : i32
    %dma_start3A_198 = arith.constant 32 : i32
    %dma_start3A_199 = arith.constant 0 : i32
    %dma_start3A_200 = tpu.memref_slice %arg8[%dma_start3A_198, %dma_start3A_199] : memref<128x128xf32, #tpu.memory_space<vmem>> -> memref<32x128xf32, #tpu.memory_space<vmem>>
    %dma_start3A_201 = arith.constant 0 : i32
    %dma_start3A_202 = tpu.memref_slice %arg4[%dma_start3A_197, %dma_start3A_201, %mul3A_2] : memref<200x32x4096xf32, #tpu.memory_space<hbm>> -> memref<1x32x128xf32, #tpu.memory_space<hbm>>
    %dma_start3A_203 = tpu.memref_squeeze %dma_start3A_202 : memref<1x32x128xf32, #tpu.memory_space<hbm>> -> memref<32x128xf32, #tpu.memory_space<hbm>>
    %dma_start3A_204 = arith.constant 0 : i32
    %dma_start3A_205 = tpu.memref_slice %arg4[%dma_start3A_197, %dma_start3A_204, %mul3A_2] : memref<200x32x4096xf32, #tpu.memory_space<hbm>> -> memref<1x32x128xf32, #tpu.memory_space<hbm>>
    %dma_start3A_206 = tpu.memref_squeeze %dma_start3A_205 : memref<1x32x128xf32, #tpu.memory_space<hbm>> -> memref<32x128xf32, #tpu.memory_space<hbm>>
    %dma_start3A_207 = arith.constant 32 : i32
    %dma_start3A_208 = arith.constant 0 : i32
    %dma_start3A_209 = tpu.memref_slice %arg8[%dma_start3A_207, %dma_start3A_208] : memref<128x128xf32, #tpu.memory_space<vmem>> -> memref<32x128xf32, #tpu.memory_space<vmem>>
    tpu.enqueue_dma source(%dma_start3A_209 : memref<32x128xf32, #tpu.memory_space<vmem>>) target(%dma_start3A_206 : memref<32x128xf32, #tpu.memory_space<hbm>>) target_semaphore(%arg12 : memref<!tpu.dma_semaphore, #tpu.memory_space<semaphore_mem>>)
    %dma_start3A_210 = arith.constant 2 : i32
    %dma_start3A_211 = arith.constant 64 : i32
    %dma_start3A_212 = arith.constant 0 : i32
    %dma_start3A_213 = tpu.memref_slice %arg8[%dma_start3A_211, %dma_start3A_212] : memref<128x128xf32, #tpu.memory_space<vmem>> -> memref<32x128xf32, #tpu.memory_space<vmem>>
    %dma_start3A_214 = arith.constant 0 : i32
    %dma_start3A_215 = tpu.memref_slice %arg4[%dma_start3A_210, %dma_start3A_214, %mul3A_2] : memref<200x32x4096xf32, #tpu.memory_space<hbm>> -> memref<1x32x128xf32, #tpu.memory_space<hbm>>
    %dma_start3A_216 = tpu.memref_squeeze %dma_start3A_215 : memref<1x32x128xf32, #tpu.memory_space<hbm>> -> memref<32x128xf32, #tpu.memory_space<hbm>>
    %dma_start3A_217 = arith.constant 0 : i32
    %dma_start3A_218 = tpu.memref_slice %arg4[%dma_start3A_210, %dma_start3A_217, %mul3A_2] : memref<200x32x4096xf32, #tpu.memory_space<hbm>> -> memref<1x32x128xf32, #tpu.memory_space<hbm>>
    %dma_start3A_219 = tpu.memref_squeeze %dma_start3A_218 : memref<1x32x128xf32, #tpu.memory_space<hbm>> -> memref<32x128xf32, #tpu.memory_space<hbm>>
    %dma_start3A_220 = arith.constant 64 : i32
    %dma_start3A_221 = arith.constant 0 : i32
    %dma_start3A_222 = tpu.memref_slice %arg8[%dma_start3A_220, %dma_start3A_221] : memref<128x128xf32, #tpu.memory_space<vmem>> -> memref<32x128xf32, #tpu.memory_space<vmem>>
    tpu.enqueue_dma source(%dma_start3A_222 : memref<32x128xf32, #tpu.memory_space<vmem>>) target(%dma_start3A_219 : memref<32x128xf32, #tpu.memory_space<hbm>>) target_semaphore(%arg12 : memref<!tpu.dma_semaphore, #tpu.memory_space<semaphore_mem>>)
    %dma_start3A_223 = arith.constant 3 : i32
    %dma_start3A_224 = arith.constant 96 : i32
    %dma_start3A_225 = arith.constant 0 : i32
    %dma_start3A_226 = tpu.memref_slice %arg8[%dma_start3A_224, %dma_start3A_225] : memref<128x128xf32, #tpu.memory_space<vmem>> -> memref<32x128xf32, #tpu.memory_space<vmem>>
    %dma_start3A_227 = arith.constant 0 : i32
    %dma_start3A_228 = tpu.memref_slice %arg4[%dma_start3A_223, %dma_start3A_227, %mul3A_2] : memref<200x32x4096xf32, #tpu.memory_space<hbm>> -> memref<1x32x128xf32, #tpu.memory_space<hbm>>
    %dma_start3A_229 = tpu.memref_squeeze %dma_start3A_228 : memref<1x32x128xf32, #tpu.memory_space<hbm>> -> memref<32x128xf32, #tpu.memory_space<hbm>>
    %dma_start3A_230 = arith.constant 0 : i32
    %dma_start3A_231 = tpu.memref_slice %arg4[%dma_start3A_223, %dma_start3A_230, %mul3A_2] : memref<200x32x4096xf32, #tpu.memory_space<hbm>> -> memref<1x32x128xf32, #tpu.memory_space<hbm>>
    %dma_start3A_232 = tpu.memref_squeeze %dma_start3A_231 : memref<1x32x128xf32, #tpu.memory_space<hbm>> -> memref<32x128xf32, #tpu.memory_space<hbm>>
    %dma_start3A_233 = arith.constant 96 : i32
    %dma_start3A_234 = arith.constant 0 : i32
    %dma_start3A_235 = tpu.memref_slice %arg8[%dma_start3A_233, %dma_start3A_234] : memref<128x128xf32, #tpu.memory_space<vmem>> -> memref<32x128xf32, #tpu.memory_space<vmem>>
    tpu.enqueue_dma source(%dma_start3A_235 : memref<32x128xf32, #tpu.memory_space<vmem>>) target(%dma_start3A_232 : memref<32x128xf32, #tpu.memory_space<hbm>>) target_semaphore(%arg12 : memref<!tpu.dma_semaphore, #tpu.memory_space<semaphore_mem>>)
    %dma_start3A_236 = arith.constant 8 : i32
    %dma_start3A_237 = arith.constant 0 : i32
    %dma_start3A_238 = arith.constant 0 : i32
    %dma_start3A_239 = tpu.memref_slice %arg6[%dma_start3A_237, %dma_start3A_238] : memref<512x32xf32, #tpu.memory_space<vmem>> -> memref<128x32xf32, #tpu.memory_space<vmem>>
    %dma_start3A_240 = arith.constant 0 : i32
    %dma_start3A_241 = tpu.memref_slice %arg5[%dma_start3A_236, %dma_start3A_240] : memref<200x128xi32, #tpu.memory_space<vmem>> -> memref<1x128xi32, #tpu.memory_space<vmem>>
    %dma_start3A_242 = tpu.memref_squeeze %dma_start3A_241 : memref<1x128xi32, #tpu.memory_space<vmem>> -> memref<128xi32, #tpu.memory_space<vmem>>
    %dma_start3A_243 = arith.constant 0 : i32
    %dma_start3A_244 = arith.constant 0 : i32
    %dma_start3A_245 = tpu.memref_slice %arg3[%dma_start3A_243, %dma_start3A_244] : memref<1000000x32xf32, #tpu.memory_space<hbm>> -> memref<1000000x32xf32, #tpu.memory_space<hbm>>
    tpu.enqueue_indirect_dma source(%dma_start3A_245 : memref<1000000x32xf32, #tpu.memory_space<hbm>>) target(%dma_start3A_239 : memref<128x32xf32, #tpu.memory_space<vmem>>) offsets(%dma_start3A_242 : memref<128xi32, #tpu.memory_space<vmem>>) semaphore(%arg10 : memref<!tpu.dma_semaphore, #tpu.memory_space<semaphore_mem>>)
    %dma_start3A_246 = arith.constant 9 : i32
    %dma_start3A_247 = arith.constant 128 : i32
    %dma_start3A_248 = arith.constant 0 : i32
    %dma_start3A_249 = tpu.memref_slice %arg6[%dma_start3A_247, %dma_start3A_248] : memref<512x32xf32, #tpu.memory_space<vmem>> -> memref<128x32xf32, #tpu.memory_space<vmem>>
    %dma_start3A_250 = arith.constant 0 : i32
    %dma_start3A_251 = tpu.memref_slice %arg5[%dma_start3A_246, %dma_start3A_250] : memref<200x128xi32, #tpu.memory_space<vmem>> -> memref<1x128xi32, #tpu.memory_space<vmem>>
    %dma_start3A_252 = tpu.memref_squeeze %dma_start3A_251 : memref<1x128xi32, #tpu.memory_space<vmem>> -> memref<128xi32, #tpu.memory_space<vmem>>
    %dma_start3A_253 = arith.constant 0 : i32
    %dma_start3A_254 = arith.constant 0 : i32
    %dma_start3A_255 = tpu.memref_slice %arg3[%dma_start3A_253, %dma_start3A_254] : memref<1000000x32xf32, #tpu.memory_space<hbm>> -> memref<1000000x32xf32, #tpu.memory_space<hbm>>
    tpu.enqueue_indirect_dma source(%dma_start3A_255 : memref<1000000x32xf32, #tpu.memory_space<hbm>>) target(%dma_start3A_249 : memref<128x32xf32, #tpu.memory_space<vmem>>) offsets(%dma_start3A_252 : memref<128xi32, #tpu.memory_space<vmem>>) semaphore(%arg10 : memref<!tpu.dma_semaphore, #tpu.memory_space<semaphore_mem>>)
    %dma_start3A_256 = arith.constant 10 : i32
    %dma_start3A_257 = arith.constant 256 : i32
    %dma_start3A_258 = arith.constant 0 : i32
    %dma_start3A_259 = tpu.memref_slice %arg6[%dma_start3A_257, %dma_start3A_258] : memref<512x32xf32, #tpu.memory_space<vmem>> -> memref<128x32xf32, #tpu.memory_space<vmem>>
    %dma_start3A_260 = arith.constant 0 : i32
    %dma_start3A_261 = tpu.memref_slice %arg5[%dma_start3A_256, %dma_start3A_260] : memref<200x128xi32, #tpu.memory_space<vmem>> -> memref<1x128xi32, #tpu.memory_space<vmem>>
    %dma_start3A_262 = tpu.memref_squeeze %dma_start3A_261 : memref<1x128xi32, #tpu.memory_space<vmem>> -> memref<128xi32, #tpu.memory_space<vmem>>
    %dma_start3A_263 = arith.constant 0 : i32
    %dma_start3A_264 = arith.constant 0 : i32
    %dma_start3A_265 = tpu.memref_slice %arg3[%dma_start3A_263, %dma_start3A_264] : memref<1000000x32xf32, #tpu.memory_space<hbm>> -> memref<1000000x32xf32, #tpu.memory_space<hbm>>
    tpu.enqueue_indirect_dma source(%dma_start3A_265 : memref<1000000x32xf32, #tpu.memory_space<hbm>>) target(%dma_start3A_259 : memref<128x32xf32, #tpu.memory_space<vmem>>) offsets(%dma_start3A_262 : memref<128xi32, #tpu.memory_space<vmem>>) semaphore(%arg10 : memref<!tpu.dma_semaphore, #tpu.memory_space<semaphore_mem>>)
    %dma_start3A_266 = arith.constant 11 : i32
    %dma_start3A_267 = arith.constant 384 : i32
    %dma_start3A_268 = arith.constant 0 : i32
    %dma_start3A_269 = tpu.memref_slice %arg6[%dma_start3A_267, %dma_start3A_268] : memref<512x32xf32, #tpu.memory_space<vmem>> -> memref<128x32xf32, #tpu.memory_space<vmem>>
    %dma_start3A_270 = arith.constant 0 : i32
    %dma_start3A_271 = tpu.memref_slice %arg5[%dma_start3A_266, %dma_start3A_270] : memref<200x128xi32, #tpu.memory_space<vmem>> -> memref<1x128xi32, #tpu.memory_space<vmem>>
    %dma_start3A_272 = tpu.memref_squeeze %dma_start3A_271 : memref<1x128xi32, #tpu.memory_space<vmem>> -> memref<128xi32, #tpu.memory_space<vmem>>
    %dma_start3A_273 = arith.constant 0 : i32
    %dma_start3A_274 = arith.constant 0 : i32
    %dma_start3A_275 = tpu.memref_slice %arg3[%dma_start3A_273, %dma_start3A_274] : memref<1000000x32xf32, #tpu.memory_space<hbm>> -> memref<1000000x32xf32, #tpu.memory_space<hbm>>
    tpu.enqueue_indirect_dma source(%dma_start3A_275 : memref<1000000x32xf32, #tpu.memory_space<hbm>>) target(%dma_start3A_269 : memref<128x32xf32, #tpu.memory_space<vmem>>) offsets(%dma_start3A_272 : memref<128xi32, #tpu.memory_space<vmem>>) semaphore(%arg10 : memref<!tpu.dma_semaphore, #tpu.memory_space<semaphore_mem>>)
    %dma_wait3A_276 = arith.constant 4 : i32
    %dma_wait3A_277 = arith.constant 0 : i32
    %dma_wait3A_278 = arith.constant 0 : i32
    %dma_wait3A_279 = tpu.memref_slice %arg7[%dma_wait3A_277, %dma_wait3A_278] : memref<512x32xf32, #tpu.memory_space<vmem>> -> memref<128x32xf32, #tpu.memory_space<vmem>>
    %dma_wait3A_280 = arith.constant 0 : i32
    %dma_wait3A_281 = tpu.memref_slice %arg5[%dma_wait3A_276, %dma_wait3A_280] : memref<200x128xi32, #tpu.memory_space<vmem>> -> memref<1x128xi32, #tpu.memory_space<vmem>>
    %dma_wait3A_282 = tpu.memref_squeeze %dma_wait3A_281 : memref<1x128xi32, #tpu.memory_space<vmem>> -> memref<128xi32, #tpu.memory_space<vmem>>
    %dma_wait3A_283 = arith.constant 0 : i32
    %dma_wait3A_284 = arith.constant 0 : i32
    %dma_wait3A_285 = tpu.memref_slice %arg3[%dma_wait3A_283, %dma_wait3A_284] : memref<1000000x32xf32, #tpu.memory_space<hbm>> -> memref<1000000x32xf32, #tpu.memory_space<hbm>>
    tpu.wait_indirect_dma semaphore(%arg11 : memref<!tpu.dma_semaphore, #tpu.memory_space<semaphore_mem>>) src(%dma_wait3A_285 : memref<1000000x32xf32, #tpu.memory_space<hbm>>) dst(%dma_wait3A_279 : memref<128x32xf32, #tpu.memory_space<vmem>>)
    %dma_wait3A_286 = arith.constant 5 : i32
    %dma_wait3A_287 = arith.constant 128 : i32
    %dma_wait3A_288 = arith.constant 0 : i32
    %dma_wait3A_289 = tpu.memref_slice %arg7[%dma_wait3A_287, %dma_wait3A_288] : memref<512x32xf32, #tpu.memory_space<vmem>> -> memref<128x32xf32, #tpu.memory_space<vmem>>
    %dma_wait3A_290 = arith.constant 0 : i32
    %dma_wait3A_291 = tpu.memref_slice %arg5[%dma_wait3A_286, %dma_wait3A_290] : memref<200x128xi32, #tpu.memory_space<vmem>> -> memref<1x128xi32, #tpu.memory_space<vmem>>
    %dma_wait3A_292 = tpu.memref_squeeze %dma_wait3A_291 : memref<1x128xi32, #tpu.memory_space<vmem>> -> memref<128xi32, #tpu.memory_space<vmem>>
    %dma_wait3A_293 = arith.constant 0 : i32
    %dma_wait3A_294 = arith.constant 0 : i32
    %dma_wait3A_295 = tpu.memref_slice %arg3[%dma_wait3A_293, %dma_wait3A_294] : memref<1000000x32xf32, #tpu.memory_space<hbm>> -> memref<1000000x32xf32, #tpu.memory_space<hbm>>
    tpu.wait_indirect_dma semaphore(%arg11 : memref<!tpu.dma_semaphore, #tpu.memory_space<semaphore_mem>>) src(%dma_wait3A_295 : memref<1000000x32xf32, #tpu.memory_space<hbm>>) dst(%dma_wait3A_289 : memref<128x32xf32, #tpu.memory_space<vmem>>)
    %dma_wait3A_296 = arith.constant 6 : i32
    %dma_wait3A_297 = arith.constant 256 : i32
    %dma_wait3A_298 = arith.constant 0 : i32
    %dma_wait3A_299 = tpu.memref_slice %arg7[%dma_wait3A_297, %dma_wait3A_298] : memref<512x32xf32, #tpu.memory_space<vmem>> -> memref<128x32xf32, #tpu.memory_space<vmem>>
    %dma_wait3A_300 = arith.constant 0 : i32
    %dma_wait3A_301 = tpu.memref_slice %arg5[%dma_wait3A_296, %dma_wait3A_300] : memref<200x128xi32, #tpu.memory_space<vmem>> -> memref<1x128xi32, #tpu.memory_space<vmem>>
    %dma_wait3A_302 = tpu.memref_squeeze %dma_wait3A_301 : memref<1x128xi32, #tpu.memory_space<vmem>> -> memref<128xi32, #tpu.memory_space<vmem>>
    %dma_wait3A_303 = arith.constant 0 : i32
    %dma_wait3A_304 = arith.constant 0 : i32
    %dma_wait3A_305 = tpu.memref_slice %arg3[%dma_wait3A_303, %dma_wait3A_304] : memref<1000000x32xf32, #tpu.memory_space<hbm>> -> memref<1000000x32xf32, #tpu.memory_space<hbm>>
    tpu.wait_indirect_dma semaphore(%arg11 : memref<!tpu.dma_semaphore, #tpu.memory_space<semaphore_mem>>) src(%dma_wait3A_305 : memref<1000000x32xf32, #tpu.memory_space<hbm>>) dst(%dma_wait3A_299 : memref<128x32xf32, #tpu.memory_space<vmem>>)
    %dma_wait3A_306 = arith.constant 7 : i32
    %dma_wait3A_307 = arith.constant 384 : i32
    %dma_wait3A_308 = arith.constant 0 : i32
    %dma_wait3A_309 = tpu.memref_slice %arg7[%dma_wait3A_307, %dma_wait3A_308] : memref<512x32xf32, #tpu.memory_space<vmem>> -> memref<128x32xf32, #tpu.memory_space<vmem>>
    %dma_wait3A_310 = arith.constant 0 : i32
    %dma_wait3A_311 = tpu.memref_slice %arg5[%dma_wait3A_306, %dma_wait3A_310] : memref<200x128xi32, #tpu.memory_space<vmem>> -> memref<1x128xi32, #tpu.memory_space<vmem>>
    %dma_wait3A_312 = tpu.memref_squeeze %dma_wait3A_311 : memref<1x128xi32, #tpu.memory_space<vmem>> -> memref<128xi32, #tpu.memory_space<vmem>>
    %dma_wait3A_313 = arith.constant 0 : i32
    %dma_wait3A_314 = arith.constant 0 : i32
    %dma_wait3A_315 = tpu.memref_slice %arg3[%dma_wait3A_313, %dma_wait3A_314] : memref<1000000x32xf32, #tpu.memory_space<hbm>> -> memref<1000000x32xf32, #tpu.memory_space<hbm>>
    tpu.wait_indirect_dma semaphore(%arg11 : memref<!tpu.dma_semaphore, #tpu.memory_space<semaphore_mem>>) src(%dma_wait3A_315 : memref<1000000x32xf32, #tpu.memory_space<hbm>>) dst(%dma_wait3A_309 : memref<128x32xf32, #tpu.memory_space<vmem>>)
    %barrier3A_316 = arith.constant 0 : index
    tpu.barrier barrier_id(%barrier3A_316)
    %dma_start3A_317 = arith.constant 4 : i32
    %dma_start3A_318 = arith.constant 0 : i32
    %dma_start3A_319 = arith.constant 0 : i32
    %dma_start3A_320 = tpu.memref_slice %arg9[%dma_start3A_318, %dma_start3A_319] : memref<128x128xf32, #tpu.memory_space<vmem>> -> memref<32x128xf32, #tpu.memory_space<vmem>>
    %dma_start3A_321 = arith.constant 0 : i32
    %dma_start3A_322 = tpu.memref_slice %arg4[%dma_start3A_317, %dma_start3A_321, %mul3A_2] : memref<200x32x4096xf32, #tpu.memory_space<hbm>> -> memref<1x32x128xf32, #tpu.memory_space<hbm>>
    %dma_start3A_323 = tpu.memref_squeeze %dma_start3A_322 : memref<1x32x128xf32, #tpu.memory_space<hbm>> -> memref<32x128xf32, #tpu.memory_space<hbm>>
    %dma_start3A_324 = arith.constant 0 : i32
    %dma_start3A_325 = tpu.memref_slice %arg4[%dma_start3A_317, %dma_start3A_324, %mul3A_2] : memref<200x32x4096xf32, #tpu.memory_space<hbm>> -> memref<1x32x128xf32, #tpu.memory_space<hbm>>
    %dma_start3A_326 = tpu.memref_squeeze %dma_start3A_325 : memref<1x32x128xf32, #tpu.memory_space<hbm>> -> memref<32x128xf32, #tpu.memory_space<hbm>>
    %dma_start3A_327 = arith.constant 0 : i32
    %dma_start3A_328 = arith.constant 0 : i32
    %dma_start3A_329 = tpu.memref_slice %arg9[%dma_start3A_327, %dma_start3A_328] : memref<128x128xf32, #tpu.memory_space<vmem>> -> memref<32x128xf32, #tpu.memory_space<vmem>>
    tpu.enqueue_dma source(%dma_start3A_329 : memref<32x128xf32, #tpu.memory_space<vmem>>) target(%dma_start3A_326 : memref<32x128xf32, #tpu.memory_space<hbm>>) target_semaphore(%arg13 : memref<!tpu.dma_semaphore, #tpu.memory_space<semaphore_mem>>)
    %dma_start3A_330 = arith.constant 5 : i32
    %dma_start3A_331 = arith.constant 32 : i32
    %dma_start3A_332 = arith.constant 0 : i32
    %dma_start3A_333 = tpu.memref_slice %arg9[%dma_start3A_331, %dma_start3A_332] : memref<128x128xf32, #tpu.memory_space<vmem>> -> memref<32x128xf32, #tpu.memory_space<vmem>>
    %dma_start3A_334 = arith.constant 0 : i32
    %dma_start3A_335 = tpu.memref_slice %arg4[%dma_start3A_330, %dma_start3A_334, %mul3A_2] : memref<200x32x4096xf32, #tpu.memory_space<hbm>> -> memref<1x32x128xf32, #tpu.memory_space<hbm>>
    %dma_start3A_336 = tpu.memref_squeeze %dma_start3A_335 : memref<1x32x128xf32, #tpu.memory_space<hbm>> -> memref<32x128xf32, #tpu.memory_space<hbm>>
    %dma_start3A_337 = arith.constant 0 : i32
    %dma_start3A_338 = tpu.memref_slice %arg4[%dma_start3A_330, %dma_start3A_337, %mul3A_2] : memref<200x32x4096xf32, #tpu.memory_space<hbm>> -> memref<1x32x128xf32, #tpu.memory_space<hbm>>
    %dma_start3A_339 = tpu.memref_squeeze %dma_start3A_338 : memref<1x32x128xf32, #tpu.memory_space<hbm>> -> memref<32x128xf32, #tpu.memory_space<hbm>>
    %dma_start3A_340 = arith.constant 32 : i32
    %dma_start3A_341 = arith.constant 0 : i32
    %dma_start3A_342 = tpu.memref_slice %arg9[%dma_start3A_340, %dma_start3A_341] : memref<128x128xf32, #tpu.memory_space<vmem>> -> memref<32x128xf32, #tpu.memory_space<vmem>>
    tpu.enqueue_dma source(%dma_start3A_342 : memref<32x128xf32, #tpu.memory_space<vmem>>) target(%dma_start3A_339 : memref<32x128xf32, #tpu.memory_space<hbm>>) target_semaphore(%arg13 : memref<!tpu.dma_semaphore, #tpu.memory_space<semaphore_mem>>)
    %dma_start3A_343 = arith.constant 6 : i32
    %dma_start3A_344 = arith.constant 64 : i32
    %dma_start3A_345 = arith.constant 0 : i32
    %dma_start3A_346 = tpu.memref_slice %arg9[%dma_start3A_344, %dma_start3A_345] : memref<128x128xf32, #tpu.memory_space<vmem>> -> memref<32x128xf32, #tpu.memory_space<vmem>>
    %dma_start3A_347 = arith.constant 0 : i32
    %dma_start3A_348 = tpu.memref_slice %arg4[%dma_start3A_343, %dma_start3A_347, %mul3A_2] : memref<200x32x4096xf32, #tpu.memory_space<hbm>> -> memref<1x32x128xf32, #tpu.memory_space<hbm>>
    %dma_start3A_349 = tpu.memref_squeeze %dma_start3A_348 : memref<1x32x128xf32, #tpu.memory_space<hbm>> -> memref<32x128xf32, #tpu.memory_space<hbm>>
    %dma_start3A_350 = arith.constant 0 : i32
    %dma_start3A_351 = tpu.memref_slice %arg4[%dma_start3A_343, %dma_start3A_350, %mul3A_2] : memref<200x32x4096xf32, #tpu.memory_space<hbm>> -> memref<1x32x128xf32, #tpu.memory_space<hbm>>
    %dma_start3A_352 = tpu.memref_squeeze %dma_start3A_351 : memref<1x32x128xf32, #tpu.memory_space<hbm>> -> memref<32x128xf32, #tpu.memory_space<hbm>>
    %dma_start3A_353 = arith.constant 64 : i32
    %dma_start3A_354 = arith.constant 0 : i32
    %dma_start3A_355 = tpu.memref_slice %arg9[%dma_start3A_353, %dma_start3A_354] : memref<128x128xf32, #tpu.memory_space<vmem>> -> memref<32x128xf32, #tpu.memory_space<vmem>>
    tpu.enqueue_dma source(%dma_start3A_355 : memref<32x128xf32, #tpu.memory_space<vmem>>) target(%dma_start3A_352 : memref<32x128xf32, #tpu.memory_space<hbm>>) target_semaphore(%arg13 : memref<!tpu.dma_semaphore, #tpu.memory_space<semaphore_mem>>)
    %dma_start3A_356 = arith.constant 7 : i32
    %dma_start3A_357 = arith.constant 96 : i32
    %dma_start3A_358 = arith.constant 0 : i32
    %dma_start3A_359 = tpu.memref_slice %arg9[%dma_start3A_357, %dma_start3A_358] : memref<128x128xf32, #tpu.memory_space<vmem>> -> memref<32x128xf32, #tpu.memory_space<vmem>>
    %dma_start3A_360 = arith.constant 0 : i32
    %dma_start3A_361 = tpu.memref_slice %arg4[%dma_start3A_356, %dma_start3A_360, %mul3A_2] : memref<200x32x4096xf32, #tpu.memory_space<hbm>> -> memref<1x32x128xf32, #tpu.memory_space<hbm>>
    %dma_start3A_362 = tpu.memref_squeeze %dma_start3A_361 : memref<1x32x128xf32, #tpu.memory_space<hbm>> -> memref<32x128xf32, #tpu.memory_space<hbm>>
    %dma_start3A_363 = arith.constant 0 : i32
    %dma_start3A_364 = tpu.memref_slice %arg4[%dma_start3A_356, %dma_start3A_363, %mul3A_2] : memref<200x32x4096xf32, #tpu.memory_space<hbm>> -> memref<1x32x128xf32, #tpu.memory_space<hbm>>
    %dma_start3A_365 = tpu.memref_squeeze %dma_start3A_364 : memref<1x32x128xf32, #tpu.memory_space<hbm>> -> memref<32x128xf32, #tpu.memory_space<hbm>>
    %dma_start3A_366 = arith.constant 96 : i32
    %dma_start3A_367 = arith.constant 0 : i32
    %dma_start3A_368 = tpu.memref_slice %arg9[%dma_start3A_366, %dma_start3A_367] : memref<128x128xf32, #tpu.memory_space<vmem>> -> memref<32x128xf32, #tpu.memory_space<vmem>>
    tpu.enqueue_dma source(%dma_start3A_368 : memref<32x128xf32, #tpu.memory_space<vmem>>) target(%dma_start3A_365 : memref<32x128xf32, #tpu.memory_space<hbm>>) target_semaphore(%arg13 : memref<!tpu.dma_semaphore, #tpu.memory_space<semaphore_mem>>)
    %dma_start3A_369 = arith.constant 12 : i32
    %dma_start3A_370 = arith.constant 0 : i32
    %dma_start3A_371 = arith.constant 0 : i32
    %dma_start3A_372 = tpu.memref_slice %arg7[%dma_start3A_370, %dma_start3A_371] : memref<512x32xf32, #tpu.memory_space<vmem>> -> memref<128x32xf32, #tpu.memory_space<vmem>>
    %dma_start3A_373 = arith.constant 0 : i32
    %dma_start3A_374 = tpu.memref_slice %arg5[%dma_start3A_369, %dma_start3A_373] : memref<200x128xi32, #tpu.memory_space<vmem>> -> memref<1x128xi32, #tpu.memory_space<vmem>>
    %dma_start3A_375 = tpu.memref_squeeze %dma_start3A_374 : memref<1x128xi32, #tpu.memory_space<vmem>> -> memref<128xi32, #tpu.memory_space<vmem>>
    %dma_start3A_376 = arith.constant 0 : i32
    %dma_start3A_377 = arith.constant 0 : i32
    %dma_start3A_378 = tpu.memref_slice %arg3[%dma_start3A_376, %dma_start3A_377] : memref<1000000x32xf32, #tpu.memory_space<hbm>> -> memref<1000000x32xf32, #tpu.memory_space<hbm>>
    tpu.enqueue_indirect_dma source(%dma_start3A_378 : memref<1000000x32xf32, #tpu.memory_space<hbm>>) target(%dma_start3A_372 : memref<128x32xf32, #tpu.memory_space<vmem>>) offsets(%dma_start3A_375 : memref<128xi32, #tpu.memory_space<vmem>>) semaphore(%arg11 : memref<!tpu.dma_semaphore, #tpu.memory_space<semaphore_mem>>)
    %dma_start3A_379 = arith.constant 13 : i32
    %dma_start3A_380 = arith.constant 128 : i32
    %dma_start3A_381 = arith.constant 0 : i32
    %dma_start3A_382 = tpu.memref_slice %arg7[%dma_start3A_380, %dma_start3A_381] : memref<512x32xf32, #tpu.memory_space<vmem>> -> memref<128x32xf32, #tpu.memory_space<vmem>>
    %dma_start3A_383 = arith.constant 0 : i32
    %dma_start3A_384 = tpu.memref_slice %arg5[%dma_start3A_379, %dma_start3A_383] : memref<200x128xi32, #tpu.memory_space<vmem>> -> memref<1x128xi32, #tpu.memory_space<vmem>>
    %dma_start3A_385 = tpu.memref_squeeze %dma_start3A_384 : memref<1x128xi32, #tpu.memory_space<vmem>> -> memref<128xi32, #tpu.memory_space<vmem>>
    %dma_start3A_386 = arith.constant 0 : i32
    %dma_start3A_387 = arith.constant 0 : i32
    %dma_start3A_388 = tpu.memref_slice %arg3[%dma_start3A_386, %dma_start3A_387] : memref<1000000x32xf32, #tpu.memory_space<hbm>> -> memref<1000000x32xf32, #tpu.memory_space<hbm>>
    tpu.enqueue_indirect_dma source(%dma_start3A_388 : memref<1000000x32xf32, #tpu.memory_space<hbm>>) target(%dma_start3A_382 : memref<128x32xf32, #tpu.memory_space<vmem>>) offsets(%dma_start3A_385 : memref<128xi32, #tpu.memory_space<vmem>>) semaphore(%arg11 : memref<!tpu.dma_semaphore, #tpu.memory_space<semaphore_mem>>)
    %dma_start3A_389 = arith.constant 14 : i32
    %dma_start3A_390 = arith.constant 256 : i32
    %dma_start3A_391 = arith.constant 0 : i32
    %dma_start3A_392 = tpu.memref_slice %arg7[%dma_start3A_390, %dma_start3A_391] : memref<512x32xf32, #tpu.memory_space<vmem>> -> memref<128x32xf32, #tpu.memory_space<vmem>>
    %dma_start3A_393 = arith.constant 0 : i32
    %dma_start3A_394 = tpu.memref_slice %arg5[%dma_start3A_389, %dma_start3A_393] : memref<200x128xi32, #tpu.memory_space<vmem>> -> memref<1x128xi32, #tpu.memory_space<vmem>>
    %dma_start3A_395 = tpu.memref_squeeze %dma_start3A_394 : memref<1x128xi32, #tpu.memory_space<vmem>> -> memref<128xi32, #tpu.memory_space<vmem>>
    %dma_start3A_396 = arith.constant 0 : i32
    %dma_start3A_397 = arith.constant 0 : i32
    %dma_start3A_398 = tpu.memref_slice %arg3[%dma_start3A_396, %dma_start3A_397] : memref<1000000x32xf32, #tpu.memory_space<hbm>> -> memref<1000000x32xf32, #tpu.memory_space<hbm>>
    tpu.enqueue_indirect_dma source(%dma_start3A_398 : memref<1000000x32xf32, #tpu.memory_space<hbm>>) target(%dma_start3A_392 : memref<128x32xf32, #tpu.memory_space<vmem>>) offsets(%dma_start3A_395 : memref<128xi32, #tpu.memory_space<vmem>>) semaphore(%arg11 : memref<!tpu.dma_semaphore, #tpu.memory_space<semaphore_mem>>)
    %dma_start3A_399 = arith.constant 15 : i32
    %dma_start3A_400 = arith.constant 384 : i32
    %dma_start3A_401 = arith.constant 0 : i32
    %dma_start3A_402 = tpu.memref_slice %arg7[%dma_start3A_400, %dma_start3A_401] : memref<512x32xf32, #tpu.memory_space<vmem>> -> memref<128x32xf32, #tpu.memory_space<vmem>>
    %dma_start3A_403 = arith.constant 0 : i32
    %dma_start3A_404 = tpu.memref_slice %arg5[%dma_start3A_399, %dma_start3A_403] : memref<200x128xi32, #tpu.memory_space<vmem>> -> memref<1x128xi32, #tpu.memory_space<vmem>>
    %dma_start3A_405 = tpu.memref_squeeze %dma_start3A_404 : memref<1x128xi32, #tpu.memory_space<vmem>> -> memref<128xi32, #tpu.memory_space<vmem>>
    %dma_start3A_406 = arith.constant 0 : i32
    %dma_start3A_407 = arith.constant 0 : i32
    %dma_start3A_408 = tpu.memref_slice %arg3[%dma_start3A_406, %dma_start3A_407] : memref<1000000x32xf32, #tpu.memory_space<hbm>> -> memref<1000000x32xf32, #tpu.memory_space<hbm>>
    tpu.enqueue_indirect_dma source(%dma_start3A_408 : memref<1000000x32xf32, #tpu.memory_space<hbm>>) target(%dma_start3A_402 : memref<128x32xf32, #tpu.memory_space<vmem>>) offsets(%dma_start3A_405 : memref<128xi32, #tpu.memory_space<vmem>>) semaphore(%arg11 : memref<!tpu.dma_semaphore, #tpu.memory_space<semaphore_mem>>)
    %scan3A = arith.constant 0 : i32
    %scan3A_409 = arith.constant 0 : i32
    %scan3A_410 = arith.constant 23 : i32
    %scan3A_411 = arith.addi %scan3A_409, %scan3A_410 : i32
    %scan3A_412 = arith.constant 1 : i32
    scf.for %scan3A_808 = %scan3A_409 to %scan3A_411 step %scan3A_412  : i32 {
      %mul3A_809 = arith.constant 2 : i32
      %mul3A_810 = arith.muli %scan3A_808, %mul3A_809 : i32
      %add3A_811 = arith.constant 2 : i32
      %add3A_812 = arith.addi %add3A_811, %mul3A_810 : i32
      %mul3A_813 = arith.constant 4 : i32
      %mul3A_814 = arith.muli %add3A_812, %mul3A_813 : i32
      %add3A_815 = arith.constant 0 : i32
      %add3A_816 = arith.addi %mul3A_814, %add3A_815 : i32
      %dma_wait3A_817 = arith.constant 0 : i32
      %dma_wait3A_818 = arith.constant 0 : i32
      %dma_wait3A_819 = tpu.memref_slice %arg6[%dma_wait3A_817, %dma_wait3A_818] : memref<512x32xf32, #tpu.memory_space<vmem>> -> memref<128x32xf32, #tpu.memory_space<vmem>>
      %dma_wait3A_820 = arith.constant 0 : i32
      %dma_wait3A_821 = tpu.memref_slice %arg5[%add3A_816, %dma_wait3A_820] : memref<200x128xi32, #tpu.memory_space<vmem>> -> memref<1x128xi32, #tpu.memory_space<vmem>>
      %dma_wait3A_822 = tpu.memref_squeeze %dma_wait3A_821 : memref<1x128xi32, #tpu.memory_space<vmem>> -> memref<128xi32, #tpu.memory_space<vmem>>
      %dma_wait3A_823 = arith.constant 0 : i32
      %dma_wait3A_824 = arith.constant 0 : i32
      %dma_wait3A_825 = tpu.memref_slice %arg3[%dma_wait3A_823, %dma_wait3A_824] : memref<1000000x32xf32, #tpu.memory_space<hbm>> -> memref<1000000x32xf32, #tpu.memory_space<hbm>>
      tpu.wait_indirect_dma semaphore(%arg10 : memref<!tpu.dma_semaphore, #tpu.memory_space<semaphore_mem>>) src(%dma_wait3A_825 : memref<1000000x32xf32, #tpu.memory_space<hbm>>) dst(%dma_wait3A_819 : memref<128x32xf32, #tpu.memory_space<vmem>>)
      %mul3A_826 = arith.constant 4 : i32
      %mul3A_827 = arith.muli %add3A_812, %mul3A_826 : i32
      %add3A_828 = arith.constant 1 : i32
      %add3A_829 = arith.addi %mul3A_827, %add3A_828 : i32
      %dma_wait3A_830 = arith.constant 128 : i32
      %dma_wait3A_831 = arith.constant 0 : i32
      %dma_wait3A_832 = tpu.memref_slice %arg6[%dma_wait3A_830, %dma_wait3A_831] : memref<512x32xf32, #tpu.memory_space<vmem>> -> memref<128x32xf32, #tpu.memory_space<vmem>>
      %dma_wait3A_833 = arith.constant 0 : i32
      %dma_wait3A_834 = tpu.memref_slice %arg5[%add3A_829, %dma_wait3A_833] : memref<200x128xi32, #tpu.memory_space<vmem>> -> memref<1x128xi32, #tpu.memory_space<vmem>>
      %dma_wait3A_835 = tpu.memref_squeeze %dma_wait3A_834 : memref<1x128xi32, #tpu.memory_space<vmem>> -> memref<128xi32, #tpu.memory_space<vmem>>
      %dma_wait3A_836 = arith.constant 0 : i32
      %dma_wait3A_837 = arith.constant 0 : i32
      %dma_wait3A_838 = tpu.memref_slice %arg3[%dma_wait3A_836, %dma_wait3A_837] : memref<1000000x32xf32, #tpu.memory_space<hbm>> -> memref<1000000x32xf32, #tpu.memory_space<hbm>>
      tpu.wait_indirect_dma semaphore(%arg10 : memref<!tpu.dma_semaphore, #tpu.memory_space<semaphore_mem>>) src(%dma_wait3A_838 : memref<1000000x32xf32, #tpu.memory_space<hbm>>) dst(%dma_wait3A_832 : memref<128x32xf32, #tpu.memory_space<vmem>>)
      %mul3A_839 = arith.constant 4 : i32
      %mul3A_840 = arith.muli %add3A_812, %mul3A_839 : i32
      %add3A_841 = arith.constant 2 : i32
      %add3A_842 = arith.addi %mul3A_840, %add3A_841 : i32
      %dma_wait3A_843 = arith.constant 256 : i32
      %dma_wait3A_844 = arith.constant 0 : i32
      %dma_wait3A_845 = tpu.memref_slice %arg6[%dma_wait3A_843, %dma_wait3A_844] : memref<512x32xf32, #tpu.memory_space<vmem>> -> memref<128x32xf32, #tpu.memory_space<vmem>>
      %dma_wait3A_846 = arith.constant 0 : i32
      %dma_wait3A_847 = tpu.memref_slice %arg5[%add3A_842, %dma_wait3A_846] : memref<200x128xi32, #tpu.memory_space<vmem>> -> memref<1x128xi32, #tpu.memory_space<vmem>>
      %dma_wait3A_848 = tpu.memref_squeeze %dma_wait3A_847 : memref<1x128xi32, #tpu.memory_space<vmem>> -> memref<128xi32, #tpu.memory_space<vmem>>
      %dma_wait3A_849 = arith.constant 0 : i32
      %dma_wait3A_850 = arith.constant 0 : i32
      %dma_wait3A_851 = tpu.memref_slice %arg3[%dma_wait3A_849, %dma_wait3A_850] : memref<1000000x32xf32, #tpu.memory_space<hbm>> -> memref<1000000x32xf32, #tpu.memory_space<hbm>>
      tpu.wait_indirect_dma semaphore(%arg10 : memref<!tpu.dma_semaphore, #tpu.memory_space<semaphore_mem>>) src(%dma_wait3A_851 : memref<1000000x32xf32, #tpu.memory_space<hbm>>) dst(%dma_wait3A_845 : memref<128x32xf32, #tpu.memory_space<vmem>>)
      %mul3A_852 = arith.constant 4 : i32
      %mul3A_853 = arith.muli %add3A_812, %mul3A_852 : i32
      %add3A_854 = arith.constant 3 : i32
      %add3A_855 = arith.addi %mul3A_853, %add3A_854 : i32
      %dma_wait3A_856 = arith.constant 384 : i32
      %dma_wait3A_857 = arith.constant 0 : i32
      %dma_wait3A_858 = tpu.memref_slice %arg6[%dma_wait3A_856, %dma_wait3A_857] : memref<512x32xf32, #tpu.memory_space<vmem>> -> memref<128x32xf32, #tpu.memory_space<vmem>>
      %dma_wait3A_859 = arith.constant 0 : i32
      %dma_wait3A_860 = tpu.memref_slice %arg5[%add3A_855, %dma_wait3A_859] : memref<200x128xi32, #tpu.memory_space<vmem>> -> memref<1x128xi32, #tpu.memory_space<vmem>>
      %dma_wait3A_861 = tpu.memref_squeeze %dma_wait3A_860 : memref<1x128xi32, #tpu.memory_space<vmem>> -> memref<128xi32, #tpu.memory_space<vmem>>
      %dma_wait3A_862 = arith.constant 0 : i32
      %dma_wait3A_863 = arith.constant 0 : i32
      %dma_wait3A_864 = tpu.memref_slice %arg3[%dma_wait3A_862, %dma_wait3A_863] : memref<1000000x32xf32, #tpu.memory_space<hbm>> -> memref<1000000x32xf32, #tpu.memory_space<hbm>>
      tpu.wait_indirect_dma semaphore(%arg10 : memref<!tpu.dma_semaphore, #tpu.memory_space<semaphore_mem>>) src(%dma_wait3A_864 : memref<1000000x32xf32, #tpu.memory_space<hbm>>) dst(%dma_wait3A_858 : memref<128x32xf32, #tpu.memory_space<vmem>>)
      %sub3A = arith.constant 2 : i32
      %sub3A_865 = arith.subi %add3A_812, %sub3A : i32
      %mul3A_866 = arith.constant 4 : i32
      %mul3A_867 = arith.muli %sub3A_865, %mul3A_866 : i32
      %add3A_868 = arith.constant 0 : i32
      %add3A_869 = arith.addi %mul3A_867, %add3A_868 : i32
      %dma_wait3A_870 = arith.constant 0 : i32
      %dma_wait3A_871 = arith.constant 0 : i32
      %dma_wait3A_872 = tpu.memref_slice %arg8[%dma_wait3A_870, %dma_wait3A_871] : memref<128x128xf32, #tpu.memory_space<vmem>> -> memref<32x128xf32, #tpu.memory_space<vmem>>
      %dma_wait3A_873 = arith.constant 0 : i32
      %dma_wait3A_874 = tpu.memref_slice %arg4[%add3A_869, %dma_wait3A_873, %mul3A_2] : memref<200x32x4096xf32, #tpu.memory_space<hbm>> -> memref<1x32x128xf32, #tpu.memory_space<hbm>>
      %dma_wait3A_875 = tpu.memref_squeeze %dma_wait3A_874 : memref<1x32x128xf32, #tpu.memory_space<hbm>> -> memref<32x128xf32, #tpu.memory_space<hbm>>
      %dma_wait3A_876 = arith.constant 0 : i32
      %dma_wait3A_877 = tpu.memref_slice %arg4[%add3A_869, %dma_wait3A_876, %mul3A_2] : memref<200x32x4096xf32, #tpu.memory_space<hbm>> -> memref<1x32x128xf32, #tpu.memory_space<hbm>>
      %dma_wait3A_878 = tpu.memref_squeeze %dma_wait3A_877 : memref<1x32x128xf32, #tpu.memory_space<hbm>> -> memref<32x128xf32, #tpu.memory_space<hbm>>
      %dma_wait3A_879 = arith.constant 0 : i32
      %dma_wait3A_880 = arith.constant 0 : i32
      %dma_wait3A_881 = tpu.memref_slice %arg8[%dma_wait3A_879, %dma_wait3A_880] : memref<128x128xf32, #tpu.memory_space<vmem>> -> memref<32x128xf32, #tpu.memory_space<vmem>>
      tpu.wait_dma2 semaphore(%arg12 : memref<!tpu.dma_semaphore, #tpu.memory_space<semaphore_mem>>) src(%dma_wait3A_881 : memref<32x128xf32, #tpu.memory_space<vmem>>) dst(%dma_wait3A_878 : memref<32x128xf32, #tpu.memory_space<hbm>>)
      %mul3A_882 = arith.constant 4 : i32
      %mul3A_883 = arith.muli %sub3A_865, %mul3A_882 : i32
      %add3A_884 = arith.constant 1 : i32
      %add3A_885 = arith.addi %mul3A_883, %add3A_884 : i32
      %dma_wait3A_886 = arith.constant 32 : i32
      %dma_wait3A_887 = arith.constant 0 : i32
      %dma_wait3A_888 = tpu.memref_slice %arg8[%dma_wait3A_886, %dma_wait3A_887] : memref<128x128xf32, #tpu.memory_space<vmem>> -> memref<32x128xf32, #tpu.memory_space<vmem>>
      %dma_wait3A_889 = arith.constant 0 : i32
      %dma_wait3A_890 = tpu.memref_slice %arg4[%add3A_885, %dma_wait3A_889, %mul3A_2] : memref<200x32x4096xf32, #tpu.memory_space<hbm>> -> memref<1x32x128xf32, #tpu.memory_space<hbm>>
      %dma_wait3A_891 = tpu.memref_squeeze %dma_wait3A_890 : memref<1x32x128xf32, #tpu.memory_space<hbm>> -> memref<32x128xf32, #tpu.memory_space<hbm>>
      %dma_wait3A_892 = arith.constant 0 : i32
      %dma_wait3A_893 = tpu.memref_slice %arg4[%add3A_885, %dma_wait3A_892, %mul3A_2] : memref<200x32x4096xf32, #tpu.memory_space<hbm>> -> memref<1x32x128xf32, #tpu.memory_space<hbm>>
      %dma_wait3A_894 = tpu.memref_squeeze %dma_wait3A_893 : memref<1x32x128xf32, #tpu.memory_space<hbm>> -> memref<32x128xf32, #tpu.memory_space<hbm>>
      %dma_wait3A_895 = arith.constant 32 : i32
      %dma_wait3A_896 = arith.constant 0 : i32
      %dma_wait3A_897 = tpu.memref_slice %arg8[%dma_wait3A_895, %dma_wait3A_896] : memref<128x128xf32, #tpu.memory_space<vmem>> -> memref<32x128xf32, #tpu.memory_space<vmem>>
      tpu.wait_dma2 semaphore(%arg12 : memref<!tpu.dma_semaphore, #tpu.memory_space<semaphore_mem>>) src(%dma_wait3A_897 : memref<32x128xf32, #tpu.memory_space<vmem>>) dst(%dma_wait3A_894 : memref<32x128xf32, #tpu.memory_space<hbm>>)
      %mul3A_898 = arith.constant 4 : i32
      %mul3A_899 = arith.muli %sub3A_865, %mul3A_898 : i32
      %add3A_900 = arith.constant 2 : i32
      %add3A_901 = arith.addi %mul3A_899, %add3A_900 : i32
      %dma_wait3A_902 = arith.constant 64 : i32
      %dma_wait3A_903 = arith.constant 0 : i32
      %dma_wait3A_904 = tpu.memref_slice %arg8[%dma_wait3A_902, %dma_wait3A_903] : memref<128x128xf32, #tpu.memory_space<vmem>> -> memref<32x128xf32, #tpu.memory_space<vmem>>
      %dma_wait3A_905 = arith.constant 0 : i32
      %dma_wait3A_906 = tpu.memref_slice %arg4[%add3A_901, %dma_wait3A_905, %mul3A_2] : memref<200x32x4096xf32, #tpu.memory_space<hbm>> -> memref<1x32x128xf32, #tpu.memory_space<hbm>>
      %dma_wait3A_907 = tpu.memref_squeeze %dma_wait3A_906 : memref<1x32x128xf32, #tpu.memory_space<hbm>> -> memref<32x128xf32, #tpu.memory_space<hbm>>
      %dma_wait3A_908 = arith.constant 0 : i32
      %dma_wait3A_909 = tpu.memref_slice %arg4[%add3A_901, %dma_wait3A_908, %mul3A_2] : memref<200x32x4096xf32, #tpu.memory_space<hbm>> -> memref<1x32x128xf32, #tpu.memory_space<hbm>>
      %dma_wait3A_910 = tpu.memref_squeeze %dma_wait3A_909 : memref<1x32x128xf32, #tpu.memory_space<hbm>> -> memref<32x128xf32, #tpu.memory_space<hbm>>
      %dma_wait3A_911 = arith.constant 64 : i32
      %dma_wait3A_912 = arith.constant 0 : i32
      %dma_wait3A_913 = tpu.memref_slice %arg8[%dma_wait3A_911, %dma_wait3A_912] : memref<128x128xf32, #tpu.memory_space<vmem>> -> memref<32x128xf32, #tpu.memory_space<vmem>>
      tpu.wait_dma2 semaphore(%arg12 : memref<!tpu.dma_semaphore, #tpu.memory_space<semaphore_mem>>) src(%dma_wait3A_913 : memref<32x128xf32, #tpu.memory_space<vmem>>) dst(%dma_wait3A_910 : memref<32x128xf32, #tpu.memory_space<hbm>>)
      %mul3A_914 = arith.constant 4 : i32
      %mul3A_915 = arith.muli %sub3A_865, %mul3A_914 : i32
      %add3A_916 = arith.constant 3 : i32
      %add3A_917 = arith.addi %mul3A_915, %add3A_916 : i32
      %dma_wait3A_918 = arith.constant 96 : i32
      %dma_wait3A_919 = arith.constant 0 : i32
      %dma_wait3A_920 = tpu.memref_slice %arg8[%dma_wait3A_918, %dma_wait3A_919] : memref<128x128xf32, #tpu.memory_space<vmem>> -> memref<32x128xf32, #tpu.memory_space<vmem>>
      %dma_wait3A_921 = arith.constant 0 : i32
      %dma_wait3A_922 = tpu.memref_slice %arg4[%add3A_917, %dma_wait3A_921, %mul3A_2] : memref<200x32x4096xf32, #tpu.memory_space<hbm>> -> memref<1x32x128xf32, #tpu.memory_space<hbm>>
      %dma_wait3A_923 = tpu.memref_squeeze %dma_wait3A_922 : memref<1x32x128xf32, #tpu.memory_space<hbm>> -> memref<32x128xf32, #tpu.memory_space<hbm>>
      %dma_wait3A_924 = arith.constant 0 : i32
      %dma_wait3A_925 = tpu.memref_slice %arg4[%add3A_917, %dma_wait3A_924, %mul3A_2] : memref<200x32x4096xf32, #tpu.memory_space<hbm>> -> memref<1x32x128xf32, #tpu.memory_space<hbm>>
      %dma_wait3A_926 = tpu.memref_squeeze %dma_wait3A_925 : memref<1x32x128xf32, #tpu.memory_space<hbm>> -> memref<32x128xf32, #tpu.memory_space<hbm>>
      %dma_wait3A_927 = arith.constant 96 : i32
      %dma_wait3A_928 = arith.constant 0 : i32
      %dma_wait3A_929 = tpu.memref_slice %arg8[%dma_wait3A_927, %dma_wait3A_928] : memref<128x128xf32, #tpu.memory_space<vmem>> -> memref<32x128xf32, #tpu.memory_space<vmem>>
      tpu.wait_dma2 semaphore(%arg12 : memref<!tpu.dma_semaphore, #tpu.memory_space<semaphore_mem>>) src(%dma_wait3A_929 : memref<32x128xf32, #tpu.memory_space<vmem>>) dst(%dma_wait3A_926 : memref<32x128xf32, #tpu.memory_space<hbm>>)
      %barrier3A_930 = arith.constant 0 : index
      tpu.barrier barrier_id(%barrier3A_930)
      %mul3A_931 = arith.constant 4 : i32
      %mul3A_932 = arith.muli %add3A_812, %mul3A_931 : i32
      %add3A_933 = arith.constant 0 : i32
      %add3A_934 = arith.addi %mul3A_932, %add3A_933 : i32
      %dma_start3A_935 = arith.constant 0 : i32
      %dma_start3A_936 = arith.constant 0 : i32
      %dma_start3A_937 = tpu.memref_slice %arg8[%dma_start3A_935, %dma_start3A_936] : memref<128x128xf32, #tpu.memory_space<vmem>> -> memref<32x128xf32, #tpu.memory_space<vmem>>
      %dma_start3A_938 = arith.constant 0 : i32
      %dma_start3A_939 = tpu.memref_slice %arg4[%add3A_934, %dma_start3A_938, %mul3A_2] : memref<200x32x4096xf32, #tpu.memory_space<hbm>> -> memref<1x32x128xf32, #tpu.memory_space<hbm>>
      %dma_start3A_940 = tpu.memref_squeeze %dma_start3A_939 : memref<1x32x128xf32, #tpu.memory_space<hbm>> -> memref<32x128xf32, #tpu.memory_space<hbm>>
      %dma_start3A_941 = arith.constant 0 : i32
      %dma_start3A_942 = tpu.memref_slice %arg4[%add3A_934, %dma_start3A_941, %mul3A_2] : memref<200x32x4096xf32, #tpu.memory_space<hbm>> -> memref<1x32x128xf32, #tpu.memory_space<hbm>>
      %dma_start3A_943 = tpu.memref_squeeze %dma_start3A_942 : memref<1x32x128xf32, #tpu.memory_space<hbm>> -> memref<32x128xf32, #tpu.memory_space<hbm>>
      %dma_start3A_944 = arith.constant 0 : i32
      %dma_start3A_945 = arith.constant 0 : i32
      %dma_start3A_946 = tpu.memref_slice %arg8[%dma_start3A_944, %dma_start3A_945] : memref<128x128xf32, #tpu.memory_space<vmem>> -> memref<32x128xf32, #tpu.memory_space<vmem>>
      tpu.enqueue_dma source(%dma_start3A_946 : memref<32x128xf32, #tpu.memory_space<vmem>>) target(%dma_start3A_943 : memref<32x128xf32, #tpu.memory_space<hbm>>) target_semaphore(%arg12 : memref<!tpu.dma_semaphore, #tpu.memory_space<semaphore_mem>>)
      %mul3A_947 = arith.constant 4 : i32
      %mul3A_948 = arith.muli %add3A_812, %mul3A_947 : i32
      %add3A_949 = arith.constant 1 : i32
      %add3A_950 = arith.addi %mul3A_948, %add3A_949 : i32
      %dma_start3A_951 = arith.constant 32 : i32
      %dma_start3A_952 = arith.constant 0 : i32
      %dma_start3A_953 = tpu.memref_slice %arg8[%dma_start3A_951, %dma_start3A_952] : memref<128x128xf32, #tpu.memory_space<vmem>> -> memref<32x128xf32, #tpu.memory_space<vmem>>
      %dma_start3A_954 = arith.constant 0 : i32
      %dma_start3A_955 = tpu.memref_slice %arg4[%add3A_950, %dma_start3A_954, %mul3A_2] : memref<200x32x4096xf32, #tpu.memory_space<hbm>> -> memref<1x32x128xf32, #tpu.memory_space<hbm>>
      %dma_start3A_956 = tpu.memref_squeeze %dma_start3A_955 : memref<1x32x128xf32, #tpu.memory_space<hbm>> -> memref<32x128xf32, #tpu.memory_space<hbm>>
      %dma_start3A_957 = arith.constant 0 : i32
      %dma_start3A_958 = tpu.memref_slice %arg4[%add3A_950, %dma_start3A_957, %mul3A_2] : memref<200x32x4096xf32, #tpu.memory_space<hbm>> -> memref<1x32x128xf32, #tpu.memory_space<hbm>>
      %dma_start3A_959 = tpu.memref_squeeze %dma_start3A_958 : memref<1x32x128xf32, #tpu.memory_space<hbm>> -> memref<32x128xf32, #tpu.memory_space<hbm>>
      %dma_start3A_960 = arith.constant 32 : i32
      %dma_start3A_961 = arith.constant 0 : i32
      %dma_start3A_962 = tpu.memref_slice %arg8[%dma_start3A_960, %dma_start3A_961] : memref<128x128xf32, #tpu.memory_space<vmem>> -> memref<32x128xf32, #tpu.memory_space<vmem>>
      tpu.enqueue_dma source(%dma_start3A_962 : memref<32x128xf32, #tpu.memory_space<vmem>>) target(%dma_start3A_959 : memref<32x128xf32, #tpu.memory_space<hbm>>) target_semaphore(%arg12 : memref<!tpu.dma_semaphore, #tpu.memory_space<semaphore_mem>>)
      %mul3A_963 = arith.constant 4 : i32
      %mul3A_964 = arith.muli %add3A_812, %mul3A_963 : i32
      %add3A_965 = arith.constant 2 : i32
      %add3A_966 = arith.addi %mul3A_964, %add3A_965 : i32
      %dma_start3A_967 = arith.constant 64 : i32
      %dma_start3A_968 = arith.constant 0 : i32
      %dma_start3A_969 = tpu.memref_slice %arg8[%dma_start3A_967, %dma_start3A_968] : memref<128x128xf32, #tpu.memory_space<vmem>> -> memref<32x128xf32, #tpu.memory_space<vmem>>
      %dma_start3A_970 = arith.constant 0 : i32
      %dma_start3A_971 = tpu.memref_slice %arg4[%add3A_966, %dma_start3A_970, %mul3A_2] : memref<200x32x4096xf32, #tpu.memory_space<hbm>> -> memref<1x32x128xf32, #tpu.memory_space<hbm>>
      %dma_start3A_972 = tpu.memref_squeeze %dma_start3A_971 : memref<1x32x128xf32, #tpu.memory_space<hbm>> -> memref<32x128xf32, #tpu.memory_space<hbm>>
      %dma_start3A_973 = arith.constant 0 : i32
      %dma_start3A_974 = tpu.memref_slice %arg4[%add3A_966, %dma_start3A_973, %mul3A_2] : memref<200x32x4096xf32, #tpu.memory_space<hbm>> -> memref<1x32x128xf32, #tpu.memory_space<hbm>>
      %dma_start3A_975 = tpu.memref_squeeze %dma_start3A_974 : memref<1x32x128xf32, #tpu.memory_space<hbm>> -> memref<32x128xf32, #tpu.memory_space<hbm>>
      %dma_start3A_976 = arith.constant 64 : i32
      %dma_start3A_977 = arith.constant 0 : i32
      %dma_start3A_978 = tpu.memref_slice %arg8[%dma_start3A_976, %dma_start3A_977] : memref<128x128xf32, #tpu.memory_space<vmem>> -> memref<32x128xf32, #tpu.memory_space<vmem>>
      tpu.enqueue_dma source(%dma_start3A_978 : memref<32x128xf32, #tpu.memory_space<vmem>>) target(%dma_start3A_975 : memref<32x128xf32, #tpu.memory_space<hbm>>) target_semaphore(%arg12 : memref<!tpu.dma_semaphore, #tpu.memory_space<semaphore_mem>>)
      %mul3A_979 = arith.constant 4 : i32
      %mul3A_980 = arith.muli %add3A_812, %mul3A_979 : i32
      %add3A_981 = arith.constant 3 : i32
      %add3A_982 = arith.addi %mul3A_980, %add3A_981 : i32
      %dma_start3A_983 = arith.constant 96 : i32
      %dma_start3A_984 = arith.constant 0 : i32
      %dma_start3A_985 = tpu.memref_slice %arg8[%dma_start3A_983, %dma_start3A_984] : memref<128x128xf32, #tpu.memory_space<vmem>> -> memref<32x128xf32, #tpu.memory_space<vmem>>
      %dma_start3A_986 = arith.constant 0 : i32
      %dma_start3A_987 = tpu.memref_slice %arg4[%add3A_982, %dma_start3A_986, %mul3A_2] : memref<200x32x4096xf32, #tpu.memory_space<hbm>> -> memref<1x32x128xf32, #tpu.memory_space<hbm>>
      %dma_start3A_988 = tpu.memref_squeeze %dma_start3A_987 : memref<1x32x128xf32, #tpu.memory_space<hbm>> -> memref<32x128xf32, #tpu.memory_space<hbm>>
      %dma_start3A_989 = arith.constant 0 : i32
      %dma_start3A_990 = tpu.memref_slice %arg4[%add3A_982, %dma_start3A_989, %mul3A_2] : memref<200x32x4096xf32, #tpu.memory_space<hbm>> -> memref<1x32x128xf32, #tpu.memory_space<hbm>>
      %dma_start3A_991 = tpu.memref_squeeze %dma_start3A_990 : memref<1x32x128xf32, #tpu.memory_space<hbm>> -> memref<32x128xf32, #tpu.memory_space<hbm>>
      %dma_start3A_992 = arith.constant 96 : i32
      %dma_start3A_993 = arith.constant 0 : i32
      %dma_start3A_994 = tpu.memref_slice %arg8[%dma_start3A_992, %dma_start3A_993] : memref<128x128xf32, #tpu.memory_space<vmem>> -> memref<32x128xf32, #tpu.memory_space<vmem>>
      tpu.enqueue_dma source(%dma_start3A_994 : memref<32x128xf32, #tpu.memory_space<vmem>>) target(%dma_start3A_991 : memref<32x128xf32, #tpu.memory_space<hbm>>) target_semaphore(%arg12 : memref<!tpu.dma_semaphore, #tpu.memory_space<semaphore_mem>>)
      %add3A_995 = arith.constant 2 : i32
      %add3A_996 = arith.addi %add3A_812, %add3A_995 : i32
      %mul3A_997 = arith.constant 4 : i32
      %mul3A_998 = arith.muli %add3A_996, %mul3A_997 : i32
      %add3A_999 = arith.constant 0 : i32
      %add3A_1000 = arith.addi %mul3A_998, %add3A_999 : i32
      %dma_start3A_1001 = arith.constant 0 : i32
      %dma_start3A_1002 = arith.constant 0 : i32
      %dma_start3A_1003 = tpu.memref_slice %arg6[%dma_start3A_1001, %dma_start3A_1002] : memref<512x32xf32, #tpu.memory_space<vmem>> -> memref<128x32xf32, #tpu.memory_space<vmem>>
      %dma_start3A_1004 = arith.constant 0 : i32
      %dma_start3A_1005 = tpu.memref_slice %arg5[%add3A_1000, %dma_start3A_1004] : memref<200x128xi32, #tpu.memory_space<vmem>> -> memref<1x128xi32, #tpu.memory_space<vmem>>
      %dma_start3A_1006 = tpu.memref_squeeze %dma_start3A_1005 : memref<1x128xi32, #tpu.memory_space<vmem>> -> memref<128xi32, #tpu.memory_space<vmem>>
      %dma_start3A_1007 = arith.constant 0 : i32
      %dma_start3A_1008 = arith.constant 0 : i32
      %dma_start3A_1009 = tpu.memref_slice %arg3[%dma_start3A_1007, %dma_start3A_1008] : memref<1000000x32xf32, #tpu.memory_space<hbm>> -> memref<1000000x32xf32, #tpu.memory_space<hbm>>
      tpu.enqueue_indirect_dma source(%dma_start3A_1009 : memref<1000000x32xf32, #tpu.memory_space<hbm>>) target(%dma_start3A_1003 : memref<128x32xf32, #tpu.memory_space<vmem>>) offsets(%dma_start3A_1006 : memref<128xi32, #tpu.memory_space<vmem>>) semaphore(%arg10 : memref<!tpu.dma_semaphore, #tpu.memory_space<semaphore_mem>>)
      %mul3A_1010 = arith.constant 4 : i32
      %mul3A_1011 = arith.muli %add3A_996, %mul3A_1010 : i32
      %add3A_1012 = arith.constant 1 : i32
      %add3A_1013 = arith.addi %mul3A_1011, %add3A_1012 : i32
      %dma_start3A_1014 = arith.constant 128 : i32
      %dma_start3A_1015 = arith.constant 0 : i32
      %dma_start3A_1016 = tpu.memref_slice %arg6[%dma_start3A_1014, %dma_start3A_1015] : memref<512x32xf32, #tpu.memory_space<vmem>> -> memref<128x32xf32, #tpu.memory_space<vmem>>
      %dma_start3A_1017 = arith.constant 0 : i32
      %dma_start3A_1018 = tpu.memref_slice %arg5[%add3A_1013, %dma_start3A_1017] : memref<200x128xi32, #tpu.memory_space<vmem>> -> memref<1x128xi32, #tpu.memory_space<vmem>>
      %dma_start3A_1019 = tpu.memref_squeeze %dma_start3A_1018 : memref<1x128xi32, #tpu.memory_space<vmem>> -> memref<128xi32, #tpu.memory_space<vmem>>
      %dma_start3A_1020 = arith.constant 0 : i32
      %dma_start3A_1021 = arith.constant 0 : i32
      %dma_start3A_1022 = tpu.memref_slice %arg3[%dma_start3A_1020, %dma_start3A_1021] : memref<1000000x32xf32, #tpu.memory_space<hbm>> -> memref<1000000x32xf32, #tpu.memory_space<hbm>>
      tpu.enqueue_indirect_dma source(%dma_start3A_1022 : memref<1000000x32xf32, #tpu.memory_space<hbm>>) target(%dma_start3A_1016 : memref<128x32xf32, #tpu.memory_space<vmem>>) offsets(%dma_start3A_1019 : memref<128xi32, #tpu.memory_space<vmem>>) semaphore(%arg10 : memref<!tpu.dma_semaphore, #tpu.memory_space<semaphore_mem>>)
      %mul3A_1023 = arith.constant 4 : i32
      %mul3A_1024 = arith.muli %add3A_996, %mul3A_1023 : i32
      %add3A_1025 = arith.constant 2 : i32
      %add3A_1026 = arith.addi %mul3A_1024, %add3A_1025 : i32
      %dma_start3A_1027 = arith.constant 256 : i32
      %dma_start3A_1028 = arith.constant 0 : i32
      %dma_start3A_1029 = tpu.memref_slice %arg6[%dma_start3A_1027, %dma_start3A_1028] : memref<512x32xf32, #tpu.memory_space<vmem>> -> memref<128x32xf32, #tpu.memory_space<vmem>>
      %dma_start3A_1030 = arith.constant 0 : i32
      %dma_start3A_1031 = tpu.memref_slice %arg5[%add3A_1026, %dma_start3A_1030] : memref<200x128xi32, #tpu.memory_space<vmem>> -> memref<1x128xi32, #tpu.memory_space<vmem>>
      %dma_start3A_1032 = tpu.memref_squeeze %dma_start3A_1031 : memref<1x128xi32, #tpu.memory_space<vmem>> -> memref<128xi32, #tpu.memory_space<vmem>>
      %dma_start3A_1033 = arith.constant 0 : i32
      %dma_start3A_1034 = arith.constant 0 : i32
      %dma_start3A_1035 = tpu.memref_slice %arg3[%dma_start3A_1033, %dma_start3A_1034] : memref<1000000x32xf32, #tpu.memory_space<hbm>> -> memref<1000000x32xf32, #tpu.memory_space<hbm>>
      tpu.enqueue_indirect_dma source(%dma_start3A_1035 : memref<1000000x32xf32, #tpu.memory_space<hbm>>) target(%dma_start3A_1029 : memref<128x32xf32, #tpu.memory_space<vmem>>) offsets(%dma_start3A_1032 : memref<128xi32, #tpu.memory_space<vmem>>) semaphore(%arg10 : memref<!tpu.dma_semaphore, #tpu.memory_space<semaphore_mem>>)
      %mul3A_1036 = arith.constant 4 : i32
      %mul3A_1037 = arith.muli %add3A_996, %mul3A_1036 : i32
      %add3A_1038 = arith.constant 3 : i32
      %add3A_1039 = arith.addi %mul3A_1037, %add3A_1038 : i32
      %dma_start3A_1040 = arith.constant 384 : i32
      %dma_start3A_1041 = arith.constant 0 : i32
      %dma_start3A_1042 = tpu.memref_slice %arg6[%dma_start3A_1040, %dma_start3A_1041] : memref<512x32xf32, #tpu.memory_space<vmem>> -> memref<128x32xf32, #tpu.memory_space<vmem>>
      %dma_start3A_1043 = arith.constant 0 : i32
      %dma_start3A_1044 = tpu.memref_slice %arg5[%add3A_1039, %dma_start3A_1043] : memref<200x128xi32, #tpu.memory_space<vmem>> -> memref<1x128xi32, #tpu.memory_space<vmem>>
      %dma_start3A_1045 = tpu.memref_squeeze %dma_start3A_1044 : memref<1x128xi32, #tpu.memory_space<vmem>> -> memref<128xi32, #tpu.memory_space<vmem>>
      %dma_start3A_1046 = arith.constant 0 : i32
      %dma_start3A_1047 = arith.constant 0 : i32
      %dma_start3A_1048 = tpu.memref_slice %arg3[%dma_start3A_1046, %dma_start3A_1047] : memref<1000000x32xf32, #tpu.memory_space<hbm>> -> memref<1000000x32xf32, #tpu.memory_space<hbm>>
      tpu.enqueue_indirect_dma source(%dma_start3A_1048 : memref<1000000x32xf32, #tpu.memory_space<hbm>>) target(%dma_start3A_1042 : memref<128x32xf32, #tpu.memory_space<vmem>>) offsets(%dma_start3A_1045 : memref<128xi32, #tpu.memory_space<vmem>>) semaphore(%arg10 : memref<!tpu.dma_semaphore, #tpu.memory_space<semaphore_mem>>)
      %add3A_1049 = arith.constant 1 : i32
      %add3A_1050 = arith.addi %add3A_812, %add3A_1049 : i32
      %mul3A_1051 = arith.constant 4 : i32
      %mul3A_1052 = arith.muli %add3A_1050, %mul3A_1051 : i32
      %add3A_1053 = arith.constant 0 : i32
      %add3A_1054 = arith.addi %mul3A_1052, %add3A_1053 : i32
      %dma_wait3A_1055 = arith.constant 0 : i32
      %dma_wait3A_1056 = arith.constant 0 : i32
      %dma_wait3A_1057 = tpu.memref_slice %arg7[%dma_wait3A_1055, %dma_wait3A_1056] : memref<512x32xf32, #tpu.memory_space<vmem>> -> memref<128x32xf32, #tpu.memory_space<vmem>>
      %dma_wait3A_1058 = arith.constant 0 : i32
      %dma_wait3A_1059 = tpu.memref_slice %arg5[%add3A_1054, %dma_wait3A_1058] : memref<200x128xi32, #tpu.memory_space<vmem>> -> memref<1x128xi32, #tpu.memory_space<vmem>>
      %dma_wait3A_1060 = tpu.memref_squeeze %dma_wait3A_1059 : memref<1x128xi32, #tpu.memory_space<vmem>> -> memref<128xi32, #tpu.memory_space<vmem>>
      %dma_wait3A_1061 = arith.constant 0 : i32
      %dma_wait3A_1062 = arith.constant 0 : i32
      %dma_wait3A_1063 = tpu.memref_slice %arg3[%dma_wait3A_1061, %dma_wait3A_1062] : memref<1000000x32xf32, #tpu.memory_space<hbm>> -> memref<1000000x32xf32, #tpu.memory_space<hbm>>
      tpu.wait_indirect_dma semaphore(%arg11 : memref<!tpu.dma_semaphore, #tpu.memory_space<semaphore_mem>>) src(%dma_wait3A_1063 : memref<1000000x32xf32, #tpu.memory_space<hbm>>) dst(%dma_wait3A_1057 : memref<128x32xf32, #tpu.memory_space<vmem>>)
      %mul3A_1064 = arith.constant 4 : i32
      %mul3A_1065 = arith.muli %add3A_1050, %mul3A_1064 : i32
      %add3A_1066 = arith.constant 1 : i32
      %add3A_1067 = arith.addi %mul3A_1065, %add3A_1066 : i32
      %dma_wait3A_1068 = arith.constant 128 : i32
      %dma_wait3A_1069 = arith.constant 0 : i32
      %dma_wait3A_1070 = tpu.memref_slice %arg7[%dma_wait3A_1068, %dma_wait3A_1069] : memref<512x32xf32, #tpu.memory_space<vmem>> -> memref<128x32xf32, #tpu.memory_space<vmem>>
      %dma_wait3A_1071 = arith.constant 0 : i32
      %dma_wait3A_1072 = tpu.memref_slice %arg5[%add3A_1067, %dma_wait3A_1071] : memref<200x128xi32, #tpu.memory_space<vmem>> -> memref<1x128xi32, #tpu.memory_space<vmem>>
      %dma_wait3A_1073 = tpu.memref_squeeze %dma_wait3A_1072 : memref<1x128xi32, #tpu.memory_space<vmem>> -> memref<128xi32, #tpu.memory_space<vmem>>
      %dma_wait3A_1074 = arith.constant 0 : i32
      %dma_wait3A_1075 = arith.constant 0 : i32
      %dma_wait3A_1076 = tpu.memref_slice %arg3[%dma_wait3A_1074, %dma_wait3A_1075] : memref<1000000x32xf32, #tpu.memory_space<hbm>> -> memref<1000000x32xf32, #tpu.memory_space<hbm>>
      tpu.wait_indirect_dma semaphore(%arg11 : memref<!tpu.dma_semaphore, #tpu.memory_space<semaphore_mem>>) src(%dma_wait3A_1076 : memref<1000000x32xf32, #tpu.memory_space<hbm>>) dst(%dma_wait3A_1070 : memref<128x32xf32, #tpu.memory_space<vmem>>)
      %mul3A_1077 = arith.constant 4 : i32
      %mul3A_1078 = arith.muli %add3A_1050, %mul3A_1077 : i32
      %add3A_1079 = arith.constant 2 : i32
      %add3A_1080 = arith.addi %mul3A_1078, %add3A_1079 : i32
      %dma_wait3A_1081 = arith.constant 256 : i32
      %dma_wait3A_1082 = arith.constant 0 : i32
      %dma_wait3A_1083 = tpu.memref_slice %arg7[%dma_wait3A_1081, %dma_wait3A_1082] : memref<512x32xf32, #tpu.memory_space<vmem>> -> memref<128x32xf32, #tpu.memory_space<vmem>>
      %dma_wait3A_1084 = arith.constant 0 : i32
      %dma_wait3A_1085 = tpu.memref_slice %arg5[%add3A_1080, %dma_wait3A_1084] : memref<200x128xi32, #tpu.memory_space<vmem>> -> memref<1x128xi32, #tpu.memory_space<vmem>>
      %dma_wait3A_1086 = tpu.memref_squeeze %dma_wait3A_1085 : memref<1x128xi32, #tpu.memory_space<vmem>> -> memref<128xi32, #tpu.memory_space<vmem>>
      %dma_wait3A_1087 = arith.constant 0 : i32
      %dma_wait3A_1088 = arith.constant 0 : i32
      %dma_wait3A_1089 = tpu.memref_slice %arg3[%dma_wait3A_1087, %dma_wait3A_1088] : memref<1000000x32xf32, #tpu.memory_space<hbm>> -> memref<1000000x32xf32, #tpu.memory_space<hbm>>
      tpu.wait_indirect_dma semaphore(%arg11 : memref<!tpu.dma_semaphore, #tpu.memory_space<semaphore_mem>>) src(%dma_wait3A_1089 : memref<1000000x32xf32, #tpu.memory_space<hbm>>) dst(%dma_wait3A_1083 : memref<128x32xf32, #tpu.memory_space<vmem>>)
      %mul3A_1090 = arith.constant 4 : i32
      %mul3A_1091 = arith.muli %add3A_1050, %mul3A_1090 : i32
      %add3A_1092 = arith.constant 3 : i32
      %add3A_1093 = arith.addi %mul3A_1091, %add3A_1092 : i32
      %dma_wait3A_1094 = arith.constant 384 : i32
      %dma_wait3A_1095 = arith.constant 0 : i32
      %dma_wait3A_1096 = tpu.memref_slice %arg7[%dma_wait3A_1094, %dma_wait3A_1095] : memref<512x32xf32, #tpu.memory_space<vmem>> -> memref<128x32xf32, #tpu.memory_space<vmem>>
      %dma_wait3A_1097 = arith.constant 0 : i32
      %dma_wait3A_1098 = tpu.memref_slice %arg5[%add3A_1093, %dma_wait3A_1097] : memref<200x128xi32, #tpu.memory_space<vmem>> -> memref<1x128xi32, #tpu.memory_space<vmem>>
      %dma_wait3A_1099 = tpu.memref_squeeze %dma_wait3A_1098 : memref<1x128xi32, #tpu.memory_space<vmem>> -> memref<128xi32, #tpu.memory_space<vmem>>
      %dma_wait3A_1100 = arith.constant 0 : i32
      %dma_wait3A_1101 = arith.constant 0 : i32
      %dma_wait3A_1102 = tpu.memref_slice %arg3[%dma_wait3A_1100, %dma_wait3A_1101] : memref<1000000x32xf32, #tpu.memory_space<hbm>> -> memref<1000000x32xf32, #tpu.memory_space<hbm>>
      tpu.wait_indirect_dma semaphore(%arg11 : memref<!tpu.dma_semaphore, #tpu.memory_space<semaphore_mem>>) src(%dma_wait3A_1102 : memref<1000000x32xf32, #tpu.memory_space<hbm>>) dst(%dma_wait3A_1096 : memref<128x32xf32, #tpu.memory_space<vmem>>)
      %sub3A_1103 = arith.constant 2 : i32
      %sub3A_1104 = arith.subi %add3A_1050, %sub3A_1103 : i32
      %mul3A_1105 = arith.constant 4 : i32
      %mul3A_1106 = arith.muli %sub3A_1104, %mul3A_1105 : i32
      %add3A_1107 = arith.constant 0 : i32
      %add3A_1108 = arith.addi %mul3A_1106, %add3A_1107 : i32
      %dma_wait3A_1109 = arith.constant 0 : i32
      %dma_wait3A_1110 = arith.constant 0 : i32
      %dma_wait3A_1111 = tpu.memref_slice %arg9[%dma_wait3A_1109, %dma_wait3A_1110] : memref<128x128xf32, #tpu.memory_space<vmem>> -> memref<32x128xf32, #tpu.memory_space<vmem>>
      %dma_wait3A_1112 = arith.constant 0 : i32
      %dma_wait3A_1113 = tpu.memref_slice %arg4[%add3A_1108, %dma_wait3A_1112, %mul3A_2] : memref<200x32x4096xf32, #tpu.memory_space<hbm>> -> memref<1x32x128xf32, #tpu.memory_space<hbm>>
      %dma_wait3A_1114 = tpu.memref_squeeze %dma_wait3A_1113 : memref<1x32x128xf32, #tpu.memory_space<hbm>> -> memref<32x128xf32, #tpu.memory_space<hbm>>
      %dma_wait3A_1115 = arith.constant 0 : i32
      %dma_wait3A_1116 = tpu.memref_slice %arg4[%add3A_1108, %dma_wait3A_1115, %mul3A_2] : memref<200x32x4096xf32, #tpu.memory_space<hbm>> -> memref<1x32x128xf32, #tpu.memory_space<hbm>>
      %dma_wait3A_1117 = tpu.memref_squeeze %dma_wait3A_1116 : memref<1x32x128xf32, #tpu.memory_space<hbm>> -> memref<32x128xf32, #tpu.memory_space<hbm>>
      %dma_wait3A_1118 = arith.constant 0 : i32
      %dma_wait3A_1119 = arith.constant 0 : i32
      %dma_wait3A_1120 = tpu.memref_slice %arg9[%dma_wait3A_1118, %dma_wait3A_1119] : memref<128x128xf32, #tpu.memory_space<vmem>> -> memref<32x128xf32, #tpu.memory_space<vmem>>
      tpu.wait_dma2 semaphore(%arg13 : memref<!tpu.dma_semaphore, #tpu.memory_space<semaphore_mem>>) src(%dma_wait3A_1120 : memref<32x128xf32, #tpu.memory_space<vmem>>) dst(%dma_wait3A_1117 : memref<32x128xf32, #tpu.memory_space<hbm>>)
      %mul3A_1121 = arith.constant 4 : i32
      %mul3A_1122 = arith.muli %sub3A_1104, %mul3A_1121 : i32
      %add3A_1123 = arith.constant 1 : i32
      %add3A_1124 = arith.addi %mul3A_1122, %add3A_1123 : i32
      %dma_wait3A_1125 = arith.constant 32 : i32
      %dma_wait3A_1126 = arith.constant 0 : i32
      %dma_wait3A_1127 = tpu.memref_slice %arg9[%dma_wait3A_1125, %dma_wait3A_1126] : memref<128x128xf32, #tpu.memory_space<vmem>> -> memref<32x128xf32, #tpu.memory_space<vmem>>
      %dma_wait3A_1128 = arith.constant 0 : i32
      %dma_wait3A_1129 = tpu.memref_slice %arg4[%add3A_1124, %dma_wait3A_1128, %mul3A_2] : memref<200x32x4096xf32, #tpu.memory_space<hbm>> -> memref<1x32x128xf32, #tpu.memory_space<hbm>>
      %dma_wait3A_1130 = tpu.memref_squeeze %dma_wait3A_1129 : memref<1x32x128xf32, #tpu.memory_space<hbm>> -> memref<32x128xf32, #tpu.memory_space<hbm>>
      %dma_wait3A_1131 = arith.constant 0 : i32
      %dma_wait3A_1132 = tpu.memref_slice %arg4[%add3A_1124, %dma_wait3A_1131, %mul3A_2] : memref<200x32x4096xf32, #tpu.memory_space<hbm>> -> memref<1x32x128xf32, #tpu.memory_space<hbm>>
      %dma_wait3A_1133 = tpu.memref_squeeze %dma_wait3A_1132 : memref<1x32x128xf32, #tpu.memory_space<hbm>> -> memref<32x128xf32, #tpu.memory_space<hbm>>
      %dma_wait3A_1134 = arith.constant 32 : i32
      %dma_wait3A_1135 = arith.constant 0 : i32
      %dma_wait3A_1136 = tpu.memref_slice %arg9[%dma_wait3A_1134, %dma_wait3A_1135] : memref<128x128xf32, #tpu.memory_space<vmem>> -> memref<32x128xf32, #tpu.memory_space<vmem>>
      tpu.wait_dma2 semaphore(%arg13 : memref<!tpu.dma_semaphore, #tpu.memory_space<semaphore_mem>>) src(%dma_wait3A_1136 : memref<32x128xf32, #tpu.memory_space<vmem>>) dst(%dma_wait3A_1133 : memref<32x128xf32, #tpu.memory_space<hbm>>)
      %mul3A_1137 = arith.constant 4 : i32
      %mul3A_1138 = arith.muli %sub3A_1104, %mul3A_1137 : i32
      %add3A_1139 = arith.constant 2 : i32
      %add3A_1140 = arith.addi %mul3A_1138, %add3A_1139 : i32
      %dma_wait3A_1141 = arith.constant 64 : i32
      %dma_wait3A_1142 = arith.constant 0 : i32
      %dma_wait3A_1143 = tpu.memref_slice %arg9[%dma_wait3A_1141, %dma_wait3A_1142] : memref<128x128xf32, #tpu.memory_space<vmem>> -> memref<32x128xf32, #tpu.memory_space<vmem>>
      %dma_wait3A_1144 = arith.constant 0 : i32
      %dma_wait3A_1145 = tpu.memref_slice %arg4[%add3A_1140, %dma_wait3A_1144, %mul3A_2] : memref<200x32x4096xf32, #tpu.memory_space<hbm>> -> memref<1x32x128xf32, #tpu.memory_space<hbm>>
      %dma_wait3A_1146 = tpu.memref_squeeze %dma_wait3A_1145 : memref<1x32x128xf32, #tpu.memory_space<hbm>> -> memref<32x128xf32, #tpu.memory_space<hbm>>
      %dma_wait3A_1147 = arith.constant 0 : i32
      %dma_wait3A_1148 = tpu.memref_slice %arg4[%add3A_1140, %dma_wait3A_1147, %mul3A_2] : memref<200x32x4096xf32, #tpu.memory_space<hbm>> -> memref<1x32x128xf32, #tpu.memory_space<hbm>>
      %dma_wait3A_1149 = tpu.memref_squeeze %dma_wait3A_1148 : memref<1x32x128xf32, #tpu.memory_space<hbm>> -> memref<32x128xf32, #tpu.memory_space<hbm>>
      %dma_wait3A_1150 = arith.constant 64 : i32
      %dma_wait3A_1151 = arith.constant 0 : i32
      %dma_wait3A_1152 = tpu.memref_slice %arg9[%dma_wait3A_1150, %dma_wait3A_1151] : memref<128x128xf32, #tpu.memory_space<vmem>> -> memref<32x128xf32, #tpu.memory_space<vmem>>
      tpu.wait_dma2 semaphore(%arg13 : memref<!tpu.dma_semaphore, #tpu.memory_space<semaphore_mem>>) src(%dma_wait3A_1152 : memref<32x128xf32, #tpu.memory_space<vmem>>) dst(%dma_wait3A_1149 : memref<32x128xf32, #tpu.memory_space<hbm>>)
      %mul3A_1153 = arith.constant 4 : i32
      %mul3A_1154 = arith.muli %sub3A_1104, %mul3A_1153 : i32
      %add3A_1155 = arith.constant 3 : i32
      %add3A_1156 = arith.addi %mul3A_1154, %add3A_1155 : i32
      %dma_wait3A_1157 = arith.constant 96 : i32
      %dma_wait3A_1158 = arith.constant 0 : i32
      %dma_wait3A_1159 = tpu.memref_slice %arg9[%dma_wait3A_1157, %dma_wait3A_1158] : memref<128x128xf32, #tpu.memory_space<vmem>> -> memref<32x128xf32, #tpu.memory_space<vmem>>
      %dma_wait3A_1160 = arith.constant 0 : i32
      %dma_wait3A_1161 = tpu.memref_slice %arg4[%add3A_1156, %dma_wait3A_1160, %mul3A_2] : memref<200x32x4096xf32, #tpu.memory_space<hbm>> -> memref<1x32x128xf32, #tpu.memory_space<hbm>>
      %dma_wait3A_1162 = tpu.memref_squeeze %dma_wait3A_1161 : memref<1x32x128xf32, #tpu.memory_space<hbm>> -> memref<32x128xf32, #tpu.memory_space<hbm>>
      %dma_wait3A_1163 = arith.constant 0 : i32
      %dma_wait3A_1164 = tpu.memref_slice %arg4[%add3A_1156, %dma_wait3A_1163, %mul3A_2] : memref<200x32x4096xf32, #tpu.memory_space<hbm>> -> memref<1x32x128xf32, #tpu.memory_space<hbm>>
      %dma_wait3A_1165 = tpu.memref_squeeze %dma_wait3A_1164 : memref<1x32x128xf32, #tpu.memory_space<hbm>> -> memref<32x128xf32, #tpu.memory_space<hbm>>
      %dma_wait3A_1166 = arith.constant 96 : i32
      %dma_wait3A_1167 = arith.constant 0 : i32
      %dma_wait3A_1168 = tpu.memref_slice %arg9[%dma_wait3A_1166, %dma_wait3A_1167] : memref<128x128xf32, #tpu.memory_space<vmem>> -> memref<32x128xf32, #tpu.memory_space<vmem>>
      tpu.wait_dma2 semaphore(%arg13 : memref<!tpu.dma_semaphore, #tpu.memory_space<semaphore_mem>>) src(%dma_wait3A_1168 : memref<32x128xf32, #tpu.memory_space<vmem>>) dst(%dma_wait3A_1165 : memref<32x128xf32, #tpu.memory_space<hbm>>)
      %barrier3A_1169 = arith.constant 0 : index
      tpu.barrier barrier_id(%barrier3A_1169)
      %mul3A_1170 = arith.constant 4 : i32
      %mul3A_1171 = arith.muli %add3A_1050, %mul3A_1170 : i32
      %add3A_1172 = arith.constant 0 : i32
      %add3A_1173 = arith.addi %mul3A_1171, %add3A_1172 : i32
      %dma_start3A_1174 = arith.constant 0 : i32
      %dma_start3A_1175 = arith.constant 0 : i32
      %dma_start3A_1176 = tpu.memref_slice %arg9[%dma_start3A_1174, %dma_start3A_1175] : memref<128x128xf32, #tpu.memory_space<vmem>> -> memref<32x128xf32, #tpu.memory_space<vmem>>
      %dma_start3A_1177 = arith.constant 0 : i32
      %dma_start3A_1178 = tpu.memref_slice %arg4[%add3A_1173, %dma_start3A_1177, %mul3A_2] : memref<200x32x4096xf32, #tpu.memory_space<hbm>> -> memref<1x32x128xf32, #tpu.memory_space<hbm>>
      %dma_start3A_1179 = tpu.memref_squeeze %dma_start3A_1178 : memref<1x32x128xf32, #tpu.memory_space<hbm>> -> memref<32x128xf32, #tpu.memory_space<hbm>>
      %dma_start3A_1180 = arith.constant 0 : i32
      %dma_start3A_1181 = tpu.memref_slice %arg4[%add3A_1173, %dma_start3A_1180, %mul3A_2] : memref<200x32x4096xf32, #tpu.memory_space<hbm>> -> memref<1x32x128xf32, #tpu.memory_space<hbm>>
      %dma_start3A_1182 = tpu.memref_squeeze %dma_start3A_1181 : memref<1x32x128xf32, #tpu.memory_space<hbm>> -> memref<32x128xf32, #tpu.memory_space<hbm>>
      %dma_start3A_1183 = arith.constant 0 : i32
      %dma_start3A_1184 = arith.constant 0 : i32
      %dma_start3A_1185 = tpu.memref_slice %arg9[%dma_start3A_1183, %dma_start3A_1184] : memref<128x128xf32, #tpu.memory_space<vmem>> -> memref<32x128xf32, #tpu.memory_space<vmem>>
      tpu.enqueue_dma source(%dma_start3A_1185 : memref<32x128xf32, #tpu.memory_space<vmem>>) target(%dma_start3A_1182 : memref<32x128xf32, #tpu.memory_space<hbm>>) target_semaphore(%arg13 : memref<!tpu.dma_semaphore, #tpu.memory_space<semaphore_mem>>)
      %mul3A_1186 = arith.constant 4 : i32
      %mul3A_1187 = arith.muli %add3A_1050, %mul3A_1186 : i32
      %add3A_1188 = arith.constant 1 : i32
      %add3A_1189 = arith.addi %mul3A_1187, %add3A_1188 : i32
      %dma_start3A_1190 = arith.constant 32 : i32
      %dma_start3A_1191 = arith.constant 0 : i32
      %dma_start3A_1192 = tpu.memref_slice %arg9[%dma_start3A_1190, %dma_start3A_1191] : memref<128x128xf32, #tpu.memory_space<vmem>> -> memref<32x128xf32, #tpu.memory_space<vmem>>
      %dma_start3A_1193 = arith.constant 0 : i32
      %dma_start3A_1194 = tpu.memref_slice %arg4[%add3A_1189, %dma_start3A_1193, %mul3A_2] : memref<200x32x4096xf32, #tpu.memory_space<hbm>> -> memref<1x32x128xf32, #tpu.memory_space<hbm>>
      %dma_start3A_1195 = tpu.memref_squeeze %dma_start3A_1194 : memref<1x32x128xf32, #tpu.memory_space<hbm>> -> memref<32x128xf32, #tpu.memory_space<hbm>>
      %dma_start3A_1196 = arith.constant 0 : i32
      %dma_start3A_1197 = tpu.memref_slice %arg4[%add3A_1189, %dma_start3A_1196, %mul3A_2] : memref<200x32x4096xf32, #tpu.memory_space<hbm>> -> memref<1x32x128xf32, #tpu.memory_space<hbm>>
      %dma_start3A_1198 = tpu.memref_squeeze %dma_start3A_1197 : memref<1x32x128xf32, #tpu.memory_space<hbm>> -> memref<32x128xf32, #tpu.memory_space<hbm>>
      %dma_start3A_1199 = arith.constant 32 : i32
      %dma_start3A_1200 = arith.constant 0 : i32
      %dma_start3A_1201 = tpu.memref_slice %arg9[%dma_start3A_1199, %dma_start3A_1200] : memref<128x128xf32, #tpu.memory_space<vmem>> -> memref<32x128xf32, #tpu.memory_space<vmem>>
      tpu.enqueue_dma source(%dma_start3A_1201 : memref<32x128xf32, #tpu.memory_space<vmem>>) target(%dma_start3A_1198 : memref<32x128xf32, #tpu.memory_space<hbm>>) target_semaphore(%arg13 : memref<!tpu.dma_semaphore, #tpu.memory_space<semaphore_mem>>)
      %mul3A_1202 = arith.constant 4 : i32
      %mul3A_1203 = arith.muli %add3A_1050, %mul3A_1202 : i32
      %add3A_1204 = arith.constant 2 : i32
      %add3A_1205 = arith.addi %mul3A_1203, %add3A_1204 : i32
      %dma_start3A_1206 = arith.constant 64 : i32
      %dma_start3A_1207 = arith.constant 0 : i32
      %dma_start3A_1208 = tpu.memref_slice %arg9[%dma_start3A_1206, %dma_start3A_1207] : memref<128x128xf32, #tpu.memory_space<vmem>> -> memref<32x128xf32, #tpu.memory_space<vmem>>
      %dma_start3A_1209 = arith.constant 0 : i32
      %dma_start3A_1210 = tpu.memref_slice %arg4[%add3A_1205, %dma_start3A_1209, %mul3A_2] : memref<200x32x4096xf32, #tpu.memory_space<hbm>> -> memref<1x32x128xf32, #tpu.memory_space<hbm>>
      %dma_start3A_1211 = tpu.memref_squeeze %dma_start3A_1210 : memref<1x32x128xf32, #tpu.memory_space<hbm>> -> memref<32x128xf32, #tpu.memory_space<hbm>>
      %dma_start3A_1212 = arith.constant 0 : i32
      %dma_start3A_1213 = tpu.memref_slice %arg4[%add3A_1205, %dma_start3A_1212, %mul3A_2] : memref<200x32x4096xf32, #tpu.memory_space<hbm>> -> memref<1x32x128xf32, #tpu.memory_space<hbm>>
      %dma_start3A_1214 = tpu.memref_squeeze %dma_start3A_1213 : memref<1x32x128xf32, #tpu.memory_space<hbm>> -> memref<32x128xf32, #tpu.memory_space<hbm>>
      %dma_start3A_1215 = arith.constant 64 : i32
      %dma_start3A_1216 = arith.constant 0 : i32
      %dma_start3A_1217 = tpu.memref_slice %arg9[%dma_start3A_1215, %dma_start3A_1216] : memref<128x128xf32, #tpu.memory_space<vmem>> -> memref<32x128xf32, #tpu.memory_space<vmem>>
      tpu.enqueue_dma source(%dma_start3A_1217 : memref<32x128xf32, #tpu.memory_space<vmem>>) target(%dma_start3A_1214 : memref<32x128xf32, #tpu.memory_space<hbm>>) target_semaphore(%arg13 : memref<!tpu.dma_semaphore, #tpu.memory_space<semaphore_mem>>)
      %mul3A_1218 = arith.constant 4 : i32
      %mul3A_1219 = arith.muli %add3A_1050, %mul3A_1218 : i32
      %add3A_1220 = arith.constant 3 : i32
      %add3A_1221 = arith.addi %mul3A_1219, %add3A_1220 : i32
      %dma_start3A_1222 = arith.constant 96 : i32
      %dma_start3A_1223 = arith.constant 0 : i32
      %dma_start3A_1224 = tpu.memref_slice %arg9[%dma_start3A_1222, %dma_start3A_1223] : memref<128x128xf32, #tpu.memory_space<vmem>> -> memref<32x128xf32, #tpu.memory_space<vmem>>
      %dma_start3A_1225 = arith.constant 0 : i32
      %dma_start3A_1226 = tpu.memref_slice %arg4[%add3A_1221, %dma_start3A_1225, %mul3A_2] : memref<200x32x4096xf32, #tpu.memory_space<hbm>> -> memref<1x32x128xf32, #tpu.memory_space<hbm>>
      %dma_start3A_1227 = tpu.memref_squeeze %dma_start3A_1226 : memref<1x32x128xf32, #tpu.memory_space<hbm>> -> memref<32x128xf32, #tpu.memory_space<hbm>>
      %dma_start3A_1228 = arith.constant 0 : i32
      %dma_start3A_1229 = tpu.memref_slice %arg4[%add3A_1221, %dma_start3A_1228, %mul3A_2] : memref<200x32x4096xf32, #tpu.memory_space<hbm>> -> memref<1x32x128xf32, #tpu.memory_space<hbm>>
      %dma_start3A_1230 = tpu.memref_squeeze %dma_start3A_1229 : memref<1x32x128xf32, #tpu.memory_space<hbm>> -> memref<32x128xf32, #tpu.memory_space<hbm>>
      %dma_start3A_1231 = arith.constant 96 : i32
      %dma_start3A_1232 = arith.constant 0 : i32
      %dma_start3A_1233 = tpu.memref_slice %arg9[%dma_start3A_1231, %dma_start3A_1232] : memref<128x128xf32, #tpu.memory_space<vmem>> -> memref<32x128xf32, #tpu.memory_space<vmem>>
      tpu.enqueue_dma source(%dma_start3A_1233 : memref<32x128xf32, #tpu.memory_space<vmem>>) target(%dma_start3A_1230 : memref<32x128xf32, #tpu.memory_space<hbm>>) target_semaphore(%arg13 : memref<!tpu.dma_semaphore, #tpu.memory_space<semaphore_mem>>)
      %add3A_1234 = arith.constant 2 : i32
      %add3A_1235 = arith.addi %add3A_1050, %add3A_1234 : i32
      %mul3A_1236 = arith.constant 4 : i32
      %mul3A_1237 = arith.muli %add3A_1235, %mul3A_1236 : i32
      %add3A_1238 = arith.constant 0 : i32
      %add3A_1239 = arith.addi %mul3A_1237, %add3A_1238 : i32
      %dma_start3A_1240 = arith.constant 0 : i32
      %dma_start3A_1241 = arith.constant 0 : i32
      %dma_start3A_1242 = tpu.memref_slice %arg7[%dma_start3A_1240, %dma_start3A_1241] : memref<512x32xf32, #tpu.memory_space<vmem>> -> memref<128x32xf32, #tpu.memory_space<vmem>>
      %dma_start3A_1243 = arith.constant 0 : i32
      %dma_start3A_1244 = tpu.memref_slice %arg5[%add3A_1239, %dma_start3A_1243] : memref<200x128xi32, #tpu.memory_space<vmem>> -> memref<1x128xi32, #tpu.memory_space<vmem>>
      %dma_start3A_1245 = tpu.memref_squeeze %dma_start3A_1244 : memref<1x128xi32, #tpu.memory_space<vmem>> -> memref<128xi32, #tpu.memory_space<vmem>>
      %dma_start3A_1246 = arith.constant 0 : i32
      %dma_start3A_1247 = arith.constant 0 : i32
      %dma_start3A_1248 = tpu.memref_slice %arg3[%dma_start3A_1246, %dma_start3A_1247] : memref<1000000x32xf32, #tpu.memory_space<hbm>> -> memref<1000000x32xf32, #tpu.memory_space<hbm>>
      tpu.enqueue_indirect_dma source(%dma_start3A_1248 : memref<1000000x32xf32, #tpu.memory_space<hbm>>) target(%dma_start3A_1242 : memref<128x32xf32, #tpu.memory_space<vmem>>) offsets(%dma_start3A_1245 : memref<128xi32, #tpu.memory_space<vmem>>) semaphore(%arg11 : memref<!tpu.dma_semaphore, #tpu.memory_space<semaphore_mem>>)
      %mul3A_1249 = arith.constant 4 : i32
      %mul3A_1250 = arith.muli %add3A_1235, %mul3A_1249 : i32
      %add3A_1251 = arith.constant 1 : i32
      %add3A_1252 = arith.addi %mul3A_1250, %add3A_1251 : i32
      %dma_start3A_1253 = arith.constant 128 : i32
      %dma_start3A_1254 = arith.constant 0 : i32
      %dma_start3A_1255 = tpu.memref_slice %arg7[%dma_start3A_1253, %dma_start3A_1254] : memref<512x32xf32, #tpu.memory_space<vmem>> -> memref<128x32xf32, #tpu.memory_space<vmem>>
      %dma_start3A_1256 = arith.constant 0 : i32
      %dma_start3A_1257 = tpu.memref_slice %arg5[%add3A_1252, %dma_start3A_1256] : memref<200x128xi32, #tpu.memory_space<vmem>> -> memref<1x128xi32, #tpu.memory_space<vmem>>
      %dma_start3A_1258 = tpu.memref_squeeze %dma_start3A_1257 : memref<1x128xi32, #tpu.memory_space<vmem>> -> memref<128xi32, #tpu.memory_space<vmem>>
      %dma_start3A_1259 = arith.constant 0 : i32
      %dma_start3A_1260 = arith.constant 0 : i32
      %dma_start3A_1261 = tpu.memref_slice %arg3[%dma_start3A_1259, %dma_start3A_1260] : memref<1000000x32xf32, #tpu.memory_space<hbm>> -> memref<1000000x32xf32, #tpu.memory_space<hbm>>
      tpu.enqueue_indirect_dma source(%dma_start3A_1261 : memref<1000000x32xf32, #tpu.memory_space<hbm>>) target(%dma_start3A_1255 : memref<128x32xf32, #tpu.memory_space<vmem>>) offsets(%dma_start3A_1258 : memref<128xi32, #tpu.memory_space<vmem>>) semaphore(%arg11 : memref<!tpu.dma_semaphore, #tpu.memory_space<semaphore_mem>>)
      %mul3A_1262 = arith.constant 4 : i32
      %mul3A_1263 = arith.muli %add3A_1235, %mul3A_1262 : i32
      %add3A_1264 = arith.constant 2 : i32
      %add3A_1265 = arith.addi %mul3A_1263, %add3A_1264 : i32
      %dma_start3A_1266 = arith.constant 256 : i32
      %dma_start3A_1267 = arith.constant 0 : i32
      %dma_start3A_1268 = tpu.memref_slice %arg7[%dma_start3A_1266, %dma_start3A_1267] : memref<512x32xf32, #tpu.memory_space<vmem>> -> memref<128x32xf32, #tpu.memory_space<vmem>>
      %dma_start3A_1269 = arith.constant 0 : i32
      %dma_start3A_1270 = tpu.memref_slice %arg5[%add3A_1265, %dma_start3A_1269] : memref<200x128xi32, #tpu.memory_space<vmem>> -> memref<1x128xi32, #tpu.memory_space<vmem>>
      %dma_start3A_1271 = tpu.memref_squeeze %dma_start3A_1270 : memref<1x128xi32, #tpu.memory_space<vmem>> -> memref<128xi32, #tpu.memory_space<vmem>>
      %dma_start3A_1272 = arith.constant 0 : i32
      %dma_start3A_1273 = arith.constant 0 : i32
      %dma_start3A_1274 = tpu.memref_slice %arg3[%dma_start3A_1272, %dma_start3A_1273] : memref<1000000x32xf32, #tpu.memory_space<hbm>> -> memref<1000000x32xf32, #tpu.memory_space<hbm>>
      tpu.enqueue_indirect_dma source(%dma_start3A_1274 : memref<1000000x32xf32, #tpu.memory_space<hbm>>) target(%dma_start3A_1268 : memref<128x32xf32, #tpu.memory_space<vmem>>) offsets(%dma_start3A_1271 : memref<128xi32, #tpu.memory_space<vmem>>) semaphore(%arg11 : memref<!tpu.dma_semaphore, #tpu.memory_space<semaphore_mem>>)
      %mul3A_1275 = arith.constant 4 : i32
      %mul3A_1276 = arith.muli %add3A_1235, %mul3A_1275 : i32
      %add3A_1277 = arith.constant 3 : i32
      %add3A_1278 = arith.addi %mul3A_1276, %add3A_1277 : i32
      %dma_start3A_1279 = arith.constant 384 : i32
      %dma_start3A_1280 = arith.constant 0 : i32
      %dma_start3A_1281 = tpu.memref_slice %arg7[%dma_start3A_1279, %dma_start3A_1280] : memref<512x32xf32, #tpu.memory_space<vmem>> -> memref<128x32xf32, #tpu.memory_space<vmem>>
      %dma_start3A_1282 = arith.constant 0 : i32
      %dma_start3A_1283 = tpu.memref_slice %arg5[%add3A_1278, %dma_start3A_1282] : memref<200x128xi32, #tpu.memory_space<vmem>> -> memref<1x128xi32, #tpu.memory_space<vmem>>
      %dma_start3A_1284 = tpu.memref_squeeze %dma_start3A_1283 : memref<1x128xi32, #tpu.memory_space<vmem>> -> memref<128xi32, #tpu.memory_space<vmem>>
      %dma_start3A_1285 = arith.constant 0 : i32
      %dma_start3A_1286 = arith.constant 0 : i32
      %dma_start3A_1287 = tpu.memref_slice %arg3[%dma_start3A_1285, %dma_start3A_1286] : memref<1000000x32xf32, #tpu.memory_space<hbm>> -> memref<1000000x32xf32, #tpu.memory_space<hbm>>
      tpu.enqueue_indirect_dma source(%dma_start3A_1287 : memref<1000000x32xf32, #tpu.memory_space<hbm>>) target(%dma_start3A_1281 : memref<128x32xf32, #tpu.memory_space<vmem>>) offsets(%dma_start3A_1284 : memref<128xi32, #tpu.memory_space<vmem>>) semaphore(%arg11 : memref<!tpu.dma_semaphore, #tpu.memory_space<semaphore_mem>>)
    }
    %scan3A_413 = arith.constant 23 : i32
    %dma_wait3A_414 = arith.constant 192 : i32
    %dma_wait3A_415 = arith.constant 0 : i32
    %dma_wait3A_416 = arith.constant 0 : i32
    %dma_wait3A_417 = tpu.memref_slice %arg6[%dma_wait3A_415, %dma_wait3A_416] : memref<512x32xf32, #tpu.memory_space<vmem>> -> memref<128x32xf32, #tpu.memory_space<vmem>>
    %dma_wait3A_418 = arith.constant 0 : i32
    %dma_wait3A_419 = tpu.memref_slice %arg5[%dma_wait3A_414, %dma_wait3A_418] : memref<200x128xi32, #tpu.memory_space<vmem>> -> memref<1x128xi32, #tpu.memory_space<vmem>>
    %dma_wait3A_420 = tpu.memref_squeeze %dma_wait3A_419 : memref<1x128xi32, #tpu.memory_space<vmem>> -> memref<128xi32, #tpu.memory_space<vmem>>
    %dma_wait3A_421 = arith.constant 0 : i32
    %dma_wait3A_422 = arith.constant 0 : i32
    %dma_wait3A_423 = tpu.memref_slice %arg3[%dma_wait3A_421, %dma_wait3A_422] : memref<1000000x32xf32, #tpu.memory_space<hbm>> -> memref<1000000x32xf32, #tpu.memory_space<hbm>>
    tpu.wait_indirect_dma semaphore(%arg10 : memref<!tpu.dma_semaphore, #tpu.memory_space<semaphore_mem>>) src(%dma_wait3A_423 : memref<1000000x32xf32, #tpu.memory_space<hbm>>) dst(%dma_wait3A_417 : memref<128x32xf32, #tpu.memory_space<vmem>>)
    %dma_wait3A_424 = arith.constant 193 : i32
    %dma_wait3A_425 = arith.constant 128 : i32
    %dma_wait3A_426 = arith.constant 0 : i32
    %dma_wait3A_427 = tpu.memref_slice %arg6[%dma_wait3A_425, %dma_wait3A_426] : memref<512x32xf32, #tpu.memory_space<vmem>> -> memref<128x32xf32, #tpu.memory_space<vmem>>
    %dma_wait3A_428 = arith.constant 0 : i32
    %dma_wait3A_429 = tpu.memref_slice %arg5[%dma_wait3A_424, %dma_wait3A_428] : memref<200x128xi32, #tpu.memory_space<vmem>> -> memref<1x128xi32, #tpu.memory_space<vmem>>
    %dma_wait3A_430 = tpu.memref_squeeze %dma_wait3A_429 : memref<1x128xi32, #tpu.memory_space<vmem>> -> memref<128xi32, #tpu.memory_space<vmem>>
    %dma_wait3A_431 = arith.constant 0 : i32
    %dma_wait3A_432 = arith.constant 0 : i32
    %dma_wait3A_433 = tpu.memref_slice %arg3[%dma_wait3A_431, %dma_wait3A_432] : memref<1000000x32xf32, #tpu.memory_space<hbm>> -> memref<1000000x32xf32, #tpu.memory_space<hbm>>
    tpu.wait_indirect_dma semaphore(%arg10 : memref<!tpu.dma_semaphore, #tpu.memory_space<semaphore_mem>>) src(%dma_wait3A_433 : memref<1000000x32xf32, #tpu.memory_space<hbm>>) dst(%dma_wait3A_427 : memref<128x32xf32, #tpu.memory_space<vmem>>)
    %dma_wait3A_434 = arith.constant 194 : i32
    %dma_wait3A_435 = arith.constant 256 : i32
    %dma_wait3A_436 = arith.constant 0 : i32
    %dma_wait3A_437 = tpu.memref_slice %arg6[%dma_wait3A_435, %dma_wait3A_436] : memref<512x32xf32, #tpu.memory_space<vmem>> -> memref<128x32xf32, #tpu.memory_space<vmem>>
    %dma_wait3A_438 = arith.constant 0 : i32
    %dma_wait3A_439 = tpu.memref_slice %arg5[%dma_wait3A_434, %dma_wait3A_438] : memref<200x128xi32, #tpu.memory_space<vmem>> -> memref<1x128xi32, #tpu.memory_space<vmem>>
    %dma_wait3A_440 = tpu.memref_squeeze %dma_wait3A_439 : memref<1x128xi32, #tpu.memory_space<vmem>> -> memref<128xi32, #tpu.memory_space<vmem>>
    %dma_wait3A_441 = arith.constant 0 : i32
    %dma_wait3A_442 = arith.constant 0 : i32
    %dma_wait3A_443 = tpu.memref_slice %arg3[%dma_wait3A_441, %dma_wait3A_442] : memref<1000000x32xf32, #tpu.memory_space<hbm>> -> memref<1000000x32xf32, #tpu.memory_space<hbm>>
    tpu.wait_indirect_dma semaphore(%arg10 : memref<!tpu.dma_semaphore, #tpu.memory_space<semaphore_mem>>) src(%dma_wait3A_443 : memref<1000000x32xf32, #tpu.memory_space<hbm>>) dst(%dma_wait3A_437 : memref<128x32xf32, #tpu.memory_space<vmem>>)
    %dma_wait3A_444 = arith.constant 195 : i32
    %dma_wait3A_445 = arith.constant 384 : i32
    %dma_wait3A_446 = arith.constant 0 : i32
    %dma_wait3A_447 = tpu.memref_slice %arg6[%dma_wait3A_445, %dma_wait3A_446] : memref<512x32xf32, #tpu.memory_space<vmem>> -> memref<128x32xf32, #tpu.memory_space<vmem>>
    %dma_wait3A_448 = arith.constant 0 : i32
    %dma_wait3A_449 = tpu.memref_slice %arg5[%dma_wait3A_444, %dma_wait3A_448] : memref<200x128xi32, #tpu.memory_space<vmem>> -> memref<1x128xi32, #tpu.memory_space<vmem>>
    %dma_wait3A_450 = tpu.memref_squeeze %dma_wait3A_449 : memref<1x128xi32, #tpu.memory_space<vmem>> -> memref<128xi32, #tpu.memory_space<vmem>>
    %dma_wait3A_451 = arith.constant 0 : i32
    %dma_wait3A_452 = arith.constant 0 : i32
    %dma_wait3A_453 = tpu.memref_slice %arg3[%dma_wait3A_451, %dma_wait3A_452] : memref<1000000x32xf32, #tpu.memory_space<hbm>> -> memref<1000000x32xf32, #tpu.memory_space<hbm>>
    tpu.wait_indirect_dma semaphore(%arg10 : memref<!tpu.dma_semaphore, #tpu.memory_space<semaphore_mem>>) src(%dma_wait3A_453 : memref<1000000x32xf32, #tpu.memory_space<hbm>>) dst(%dma_wait3A_447 : memref<128x32xf32, #tpu.memory_space<vmem>>)
    %dma_wait3A_454 = arith.constant 184 : i32
    %dma_wait3A_455 = arith.constant 0 : i32
    %dma_wait3A_456 = arith.constant 0 : i32
    %dma_wait3A_457 = tpu.memref_slice %arg8[%dma_wait3A_455, %dma_wait3A_456] : memref<128x128xf32, #tpu.memory_space<vmem>> -> memref<32x128xf32, #tpu.memory_space<vmem>>
    %dma_wait3A_458 = arith.constant 0 : i32
    %dma_wait3A_459 = tpu.memref_slice %arg4[%dma_wait3A_454, %dma_wait3A_458, %mul3A_2] : memref<200x32x4096xf32, #tpu.memory_space<hbm>> -> memref<1x32x128xf32, #tpu.memory_space<hbm>>
    %dma_wait3A_460 = tpu.memref_squeeze %dma_wait3A_459 : memref<1x32x128xf32, #tpu.memory_space<hbm>> -> memref<32x128xf32, #tpu.memory_space<hbm>>
    %dma_wait3A_461 = arith.constant 0 : i32
    %dma_wait3A_462 = tpu.memref_slice %arg4[%dma_wait3A_454, %dma_wait3A_461, %mul3A_2] : memref<200x32x4096xf32, #tpu.memory_space<hbm>> -> memref<1x32x128xf32, #tpu.memory_space<hbm>>
    %dma_wait3A_463 = tpu.memref_squeeze %dma_wait3A_462 : memref<1x32x128xf32, #tpu.memory_space<hbm>> -> memref<32x128xf32, #tpu.memory_space<hbm>>
    %dma_wait3A_464 = arith.constant 0 : i32
    %dma_wait3A_465 = arith.constant 0 : i32
    %dma_wait3A_466 = tpu.memref_slice %arg8[%dma_wait3A_464, %dma_wait3A_465] : memref<128x128xf32, #tpu.memory_space<vmem>> -> memref<32x128xf32, #tpu.memory_space<vmem>>
    tpu.wait_dma2 semaphore(%arg12 : memref<!tpu.dma_semaphore, #tpu.memory_space<semaphore_mem>>) src(%dma_wait3A_466 : memref<32x128xf32, #tpu.memory_space<vmem>>) dst(%dma_wait3A_463 : memref<32x128xf32, #tpu.memory_space<hbm>>)
    %dma_wait3A_467 = arith.constant 185 : i32
    %dma_wait3A_468 = arith.constant 32 : i32
    %dma_wait3A_469 = arith.constant 0 : i32
    %dma_wait3A_470 = tpu.memref_slice %arg8[%dma_wait3A_468, %dma_wait3A_469] : memref<128x128xf32, #tpu.memory_space<vmem>> -> memref<32x128xf32, #tpu.memory_space<vmem>>
    %dma_wait3A_471 = arith.constant 0 : i32
    %dma_wait3A_472 = tpu.memref_slice %arg4[%dma_wait3A_467, %dma_wait3A_471, %mul3A_2] : memref<200x32x4096xf32, #tpu.memory_space<hbm>> -> memref<1x32x128xf32, #tpu.memory_space<hbm>>
    %dma_wait3A_473 = tpu.memref_squeeze %dma_wait3A_472 : memref<1x32x128xf32, #tpu.memory_space<hbm>> -> memref<32x128xf32, #tpu.memory_space<hbm>>
    %dma_wait3A_474 = arith.constant 0 : i32
    %dma_wait3A_475 = tpu.memref_slice %arg4[%dma_wait3A_467, %dma_wait3A_474, %mul3A_2] : memref<200x32x4096xf32, #tpu.memory_space<hbm>> -> memref<1x32x128xf32, #tpu.memory_space<hbm>>
    %dma_wait3A_476 = tpu.memref_squeeze %dma_wait3A_475 : memref<1x32x128xf32, #tpu.memory_space<hbm>> -> memref<32x128xf32, #tpu.memory_space<hbm>>
    %dma_wait3A_477 = arith.constant 32 : i32
    %dma_wait3A_478 = arith.constant 0 : i32
    %dma_wait3A_479 = tpu.memref_slice %arg8[%dma_wait3A_477, %dma_wait3A_478] : memref<128x128xf32, #tpu.memory_space<vmem>> -> memref<32x128xf32, #tpu.memory_space<vmem>>
    tpu.wait_dma2 semaphore(%arg12 : memref<!tpu.dma_semaphore, #tpu.memory_space<semaphore_mem>>) src(%dma_wait3A_479 : memref<32x128xf32, #tpu.memory_space<vmem>>) dst(%dma_wait3A_476 : memref<32x128xf32, #tpu.memory_space<hbm>>)
    %dma_wait3A_480 = arith.constant 186 : i32
    %dma_wait3A_481 = arith.constant 64 : i32
    %dma_wait3A_482 = arith.constant 0 : i32
    %dma_wait3A_483 = tpu.memref_slice %arg8[%dma_wait3A_481, %dma_wait3A_482] : memref<128x128xf32, #tpu.memory_space<vmem>> -> memref<32x128xf32, #tpu.memory_space<vmem>>
    %dma_wait3A_484 = arith.constant 0 : i32
    %dma_wait3A_485 = tpu.memref_slice %arg4[%dma_wait3A_480, %dma_wait3A_484, %mul3A_2] : memref<200x32x4096xf32, #tpu.memory_space<hbm>> -> memref<1x32x128xf32, #tpu.memory_space<hbm>>
    %dma_wait3A_486 = tpu.memref_squeeze %dma_wait3A_485 : memref<1x32x128xf32, #tpu.memory_space<hbm>> -> memref<32x128xf32, #tpu.memory_space<hbm>>
    %dma_wait3A_487 = arith.constant 0 : i32
    %dma_wait3A_488 = tpu.memref_slice %arg4[%dma_wait3A_480, %dma_wait3A_487, %mul3A_2] : memref<200x32x4096xf32, #tpu.memory_space<hbm>> -> memref<1x32x128xf32, #tpu.memory_space<hbm>>
    %dma_wait3A_489 = tpu.memref_squeeze %dma_wait3A_488 : memref<1x32x128xf32, #tpu.memory_space<hbm>> -> memref<32x128xf32, #tpu.memory_space<hbm>>
    %dma_wait3A_490 = arith.constant 64 : i32
    %dma_wait3A_491 = arith.constant 0 : i32
    %dma_wait3A_492 = tpu.memref_slice %arg8[%dma_wait3A_490, %dma_wait3A_491] : memref<128x128xf32, #tpu.memory_space<vmem>> -> memref<32x128xf32, #tpu.memory_space<vmem>>
    tpu.wait_dma2 semaphore(%arg12 : memref<!tpu.dma_semaphore, #tpu.memory_space<semaphore_mem>>) src(%dma_wait3A_492 : memref<32x128xf32, #tpu.memory_space<vmem>>) dst(%dma_wait3A_489 : memref<32x128xf32, #tpu.memory_space<hbm>>)
    %dma_wait3A_493 = arith.constant 187 : i32
    %dma_wait3A_494 = arith.constant 96 : i32
    %dma_wait3A_495 = arith.constant 0 : i32
    %dma_wait3A_496 = tpu.memref_slice %arg8[%dma_wait3A_494, %dma_wait3A_495] : memref<128x128xf32, #tpu.memory_space<vmem>> -> memref<32x128xf32, #tpu.memory_space<vmem>>
    %dma_wait3A_497 = arith.constant 0 : i32
    %dma_wait3A_498 = tpu.memref_slice %arg4[%dma_wait3A_493, %dma_wait3A_497, %mul3A_2] : memref<200x32x4096xf32, #tpu.memory_space<hbm>> -> memref<1x32x128xf32, #tpu.memory_space<hbm>>
    %dma_wait3A_499 = tpu.memref_squeeze %dma_wait3A_498 : memref<1x32x128xf32, #tpu.memory_space<hbm>> -> memref<32x128xf32, #tpu.memory_space<hbm>>
    %dma_wait3A_500 = arith.constant 0 : i32
    %dma_wait3A_501 = tpu.memref_slice %arg4[%dma_wait3A_493, %dma_wait3A_500, %mul3A_2] : memref<200x32x4096xf32, #tpu.memory_space<hbm>> -> memref<1x32x128xf32, #tpu.memory_space<hbm>>
    %dma_wait3A_502 = tpu.memref_squeeze %dma_wait3A_501 : memref<1x32x128xf32, #tpu.memory_space<hbm>> -> memref<32x128xf32, #tpu.memory_space<hbm>>
    %dma_wait3A_503 = arith.constant 96 : i32
    %dma_wait3A_504 = arith.constant 0 : i32
    %dma_wait3A_505 = tpu.memref_slice %arg8[%dma_wait3A_503, %dma_wait3A_504] : memref<128x128xf32, #tpu.memory_space<vmem>> -> memref<32x128xf32, #tpu.memory_space<vmem>>
    tpu.wait_dma2 semaphore(%arg12 : memref<!tpu.dma_semaphore, #tpu.memory_space<semaphore_mem>>) src(%dma_wait3A_505 : memref<32x128xf32, #tpu.memory_space<vmem>>) dst(%dma_wait3A_502 : memref<32x128xf32, #tpu.memory_space<hbm>>)
    %barrier3A_506 = arith.constant 0 : index
    tpu.barrier barrier_id(%barrier3A_506)
    %dma_start3A_507 = arith.constant 192 : i32
    %dma_start3A_508 = arith.constant 0 : i32
    %dma_start3A_509 = arith.constant 0 : i32
    %dma_start3A_510 = tpu.memref_slice %arg8[%dma_start3A_508, %dma_start3A_509] : memref<128x128xf32, #tpu.memory_space<vmem>> -> memref<32x128xf32, #tpu.memory_space<vmem>>
    %dma_start3A_511 = arith.constant 0 : i32
    %dma_start3A_512 = tpu.memref_slice %arg4[%dma_start3A_507, %dma_start3A_511, %mul3A_2] : memref<200x32x4096xf32, #tpu.memory_space<hbm>> -> memref<1x32x128xf32, #tpu.memory_space<hbm>>
    %dma_start3A_513 = tpu.memref_squeeze %dma_start3A_512 : memref<1x32x128xf32, #tpu.memory_space<hbm>> -> memref<32x128xf32, #tpu.memory_space<hbm>>
    %dma_start3A_514 = arith.constant 0 : i32
    %dma_start3A_515 = tpu.memref_slice %arg4[%dma_start3A_507, %dma_start3A_514, %mul3A_2] : memref<200x32x4096xf32, #tpu.memory_space<hbm>> -> memref<1x32x128xf32, #tpu.memory_space<hbm>>
    %dma_start3A_516 = tpu.memref_squeeze %dma_start3A_515 : memref<1x32x128xf32, #tpu.memory_space<hbm>> -> memref<32x128xf32, #tpu.memory_space<hbm>>
    %dma_start3A_517 = arith.constant 0 : i32
    %dma_start3A_518 = arith.constant 0 : i32
    %dma_start3A_519 = tpu.memref_slice %arg8[%dma_start3A_517, %dma_start3A_518] : memref<128x128xf32, #tpu.memory_space<vmem>> -> memref<32x128xf32, #tpu.memory_space<vmem>>
    tpu.enqueue_dma source(%dma_start3A_519 : memref<32x128xf32, #tpu.memory_space<vmem>>) target(%dma_start3A_516 : memref<32x128xf32, #tpu.memory_space<hbm>>) target_semaphore(%arg12 : memref<!tpu.dma_semaphore, #tpu.memory_space<semaphore_mem>>)
    %dma_start3A_520 = arith.constant 193 : i32
    %dma_start3A_521 = arith.constant 32 : i32
    %dma_start3A_522 = arith.constant 0 : i32
    %dma_start3A_523 = tpu.memref_slice %arg8[%dma_start3A_521, %dma_start3A_522] : memref<128x128xf32, #tpu.memory_space<vmem>> -> memref<32x128xf32, #tpu.memory_space<vmem>>
    %dma_start3A_524 = arith.constant 0 : i32
    %dma_start3A_525 = tpu.memref_slice %arg4[%dma_start3A_520, %dma_start3A_524, %mul3A_2] : memref<200x32x4096xf32, #tpu.memory_space<hbm>> -> memref<1x32x128xf32, #tpu.memory_space<hbm>>
    %dma_start3A_526 = tpu.memref_squeeze %dma_start3A_525 : memref<1x32x128xf32, #tpu.memory_space<hbm>> -> memref<32x128xf32, #tpu.memory_space<hbm>>
    %dma_start3A_527 = arith.constant 0 : i32
    %dma_start3A_528 = tpu.memref_slice %arg4[%dma_start3A_520, %dma_start3A_527, %mul3A_2] : memref<200x32x4096xf32, #tpu.memory_space<hbm>> -> memref<1x32x128xf32, #tpu.memory_space<hbm>>
    %dma_start3A_529 = tpu.memref_squeeze %dma_start3A_528 : memref<1x32x128xf32, #tpu.memory_space<hbm>> -> memref<32x128xf32, #tpu.memory_space<hbm>>
    %dma_start3A_530 = arith.constant 32 : i32
    %dma_start3A_531 = arith.constant 0 : i32
    %dma_start3A_532 = tpu.memref_slice %arg8[%dma_start3A_530, %dma_start3A_531] : memref<128x128xf32, #tpu.memory_space<vmem>> -> memref<32x128xf32, #tpu.memory_space<vmem>>
    tpu.enqueue_dma source(%dma_start3A_532 : memref<32x128xf32, #tpu.memory_space<vmem>>) target(%dma_start3A_529 : memref<32x128xf32, #tpu.memory_space<hbm>>) target_semaphore(%arg12 : memref<!tpu.dma_semaphore, #tpu.memory_space<semaphore_mem>>)
    %dma_start3A_533 = arith.constant 194 : i32
    %dma_start3A_534 = arith.constant 64 : i32
    %dma_start3A_535 = arith.constant 0 : i32
    %dma_start3A_536 = tpu.memref_slice %arg8[%dma_start3A_534, %dma_start3A_535] : memref<128x128xf32, #tpu.memory_space<vmem>> -> memref<32x128xf32, #tpu.memory_space<vmem>>
    %dma_start3A_537 = arith.constant 0 : i32
    %dma_start3A_538 = tpu.memref_slice %arg4[%dma_start3A_533, %dma_start3A_537, %mul3A_2] : memref<200x32x4096xf32, #tpu.memory_space<hbm>> -> memref<1x32x128xf32, #tpu.memory_space<hbm>>
    %dma_start3A_539 = tpu.memref_squeeze %dma_start3A_538 : memref<1x32x128xf32, #tpu.memory_space<hbm>> -> memref<32x128xf32, #tpu.memory_space<hbm>>
    %dma_start3A_540 = arith.constant 0 : i32
    %dma_start3A_541 = tpu.memref_slice %arg4[%dma_start3A_533, %dma_start3A_540, %mul3A_2] : memref<200x32x4096xf32, #tpu.memory_space<hbm>> -> memref<1x32x128xf32, #tpu.memory_space<hbm>>
    %dma_start3A_542 = tpu.memref_squeeze %dma_start3A_541 : memref<1x32x128xf32, #tpu.memory_space<hbm>> -> memref<32x128xf32, #tpu.memory_space<hbm>>
    %dma_start3A_543 = arith.constant 64 : i32
    %dma_start3A_544 = arith.constant 0 : i32
    %dma_start3A_545 = tpu.memref_slice %arg8[%dma_start3A_543, %dma_start3A_544] : memref<128x128xf32, #tpu.memory_space<vmem>> -> memref<32x128xf32, #tpu.memory_space<vmem>>
    tpu.enqueue_dma source(%dma_start3A_545 : memref<32x128xf32, #tpu.memory_space<vmem>>) target(%dma_start3A_542 : memref<32x128xf32, #tpu.memory_space<hbm>>) target_semaphore(%arg12 : memref<!tpu.dma_semaphore, #tpu.memory_space<semaphore_mem>>)
    %dma_start3A_546 = arith.constant 195 : i32
    %dma_start3A_547 = arith.constant 96 : i32
    %dma_start3A_548 = arith.constant 0 : i32
    %dma_start3A_549 = tpu.memref_slice %arg8[%dma_start3A_547, %dma_start3A_548] : memref<128x128xf32, #tpu.memory_space<vmem>> -> memref<32x128xf32, #tpu.memory_space<vmem>>
    %dma_start3A_550 = arith.constant 0 : i32
    %dma_start3A_551 = tpu.memref_slice %arg4[%dma_start3A_546, %dma_start3A_550, %mul3A_2] : memref<200x32x4096xf32, #tpu.memory_space<hbm>> -> memref<1x32x128xf32, #tpu.memory_space<hbm>>
    %dma_start3A_552 = tpu.memref_squeeze %dma_start3A_551 : memref<1x32x128xf32, #tpu.memory_space<hbm>> -> memref<32x128xf32, #tpu.memory_space<hbm>>
    %dma_start3A_553 = arith.constant 0 : i32
    %dma_start3A_554 = tpu.memref_slice %arg4[%dma_start3A_546, %dma_start3A_553, %mul3A_2] : memref<200x32x4096xf32, #tpu.memory_space<hbm>> -> memref<1x32x128xf32, #tpu.memory_space<hbm>>
    %dma_start3A_555 = tpu.memref_squeeze %dma_start3A_554 : memref<1x32x128xf32, #tpu.memory_space<hbm>> -> memref<32x128xf32, #tpu.memory_space<hbm>>
    %dma_start3A_556 = arith.constant 96 : i32
    %dma_start3A_557 = arith.constant 0 : i32
    %dma_start3A_558 = tpu.memref_slice %arg8[%dma_start3A_556, %dma_start3A_557] : memref<128x128xf32, #tpu.memory_space<vmem>> -> memref<32x128xf32, #tpu.memory_space<vmem>>
    tpu.enqueue_dma source(%dma_start3A_558 : memref<32x128xf32, #tpu.memory_space<vmem>>) target(%dma_start3A_555 : memref<32x128xf32, #tpu.memory_space<hbm>>) target_semaphore(%arg12 : memref<!tpu.dma_semaphore, #tpu.memory_space<semaphore_mem>>)
    %dma_wait3A_559 = arith.constant 196 : i32
    %dma_wait3A_560 = arith.constant 0 : i32
    %dma_wait3A_561 = arith.constant 0 : i32
    %dma_wait3A_562 = tpu.memref_slice %arg7[%dma_wait3A_560, %dma_wait3A_561] : memref<512x32xf32, #tpu.memory_space<vmem>> -> memref<128x32xf32, #tpu.memory_space<vmem>>
    %dma_wait3A_563 = arith.constant 0 : i32
    %dma_wait3A_564 = tpu.memref_slice %arg5[%dma_wait3A_559, %dma_wait3A_563] : memref<200x128xi32, #tpu.memory_space<vmem>> -> memref<1x128xi32, #tpu.memory_space<vmem>>
    %dma_wait3A_565 = tpu.memref_squeeze %dma_wait3A_564 : memref<1x128xi32, #tpu.memory_space<vmem>> -> memref<128xi32, #tpu.memory_space<vmem>>
    %dma_wait3A_566 = arith.constant 0 : i32
    %dma_wait3A_567 = arith.constant 0 : i32
    %dma_wait3A_568 = tpu.memref_slice %arg3[%dma_wait3A_566, %dma_wait3A_567] : memref<1000000x32xf32, #tpu.memory_space<hbm>> -> memref<1000000x32xf32, #tpu.memory_space<hbm>>
    tpu.wait_indirect_dma semaphore(%arg11 : memref<!tpu.dma_semaphore, #tpu.memory_space<semaphore_mem>>) src(%dma_wait3A_568 : memref<1000000x32xf32, #tpu.memory_space<hbm>>) dst(%dma_wait3A_562 : memref<128x32xf32, #tpu.memory_space<vmem>>)
    %dma_wait3A_569 = arith.constant 197 : i32
    %dma_wait3A_570 = arith.constant 128 : i32
    %dma_wait3A_571 = arith.constant 0 : i32
    %dma_wait3A_572 = tpu.memref_slice %arg7[%dma_wait3A_570, %dma_wait3A_571] : memref<512x32xf32, #tpu.memory_space<vmem>> -> memref<128x32xf32, #tpu.memory_space<vmem>>
    %dma_wait3A_573 = arith.constant 0 : i32
    %dma_wait3A_574 = tpu.memref_slice %arg5[%dma_wait3A_569, %dma_wait3A_573] : memref<200x128xi32, #tpu.memory_space<vmem>> -> memref<1x128xi32, #tpu.memory_space<vmem>>
    %dma_wait3A_575 = tpu.memref_squeeze %dma_wait3A_574 : memref<1x128xi32, #tpu.memory_space<vmem>> -> memref<128xi32, #tpu.memory_space<vmem>>
    %dma_wait3A_576 = arith.constant 0 : i32
    %dma_wait3A_577 = arith.constant 0 : i32
    %dma_wait3A_578 = tpu.memref_slice %arg3[%dma_wait3A_576, %dma_wait3A_577] : memref<1000000x32xf32, #tpu.memory_space<hbm>> -> memref<1000000x32xf32, #tpu.memory_space<hbm>>
    tpu.wait_indirect_dma semaphore(%arg11 : memref<!tpu.dma_semaphore, #tpu.memory_space<semaphore_mem>>) src(%dma_wait3A_578 : memref<1000000x32xf32, #tpu.memory_space<hbm>>) dst(%dma_wait3A_572 : memref<128x32xf32, #tpu.memory_space<vmem>>)
    %dma_wait3A_579 = arith.constant 198 : i32
    %dma_wait3A_580 = arith.constant 256 : i32
    %dma_wait3A_581 = arith.constant 0 : i32
    %dma_wait3A_582 = tpu.memref_slice %arg7[%dma_wait3A_580, %dma_wait3A_581] : memref<512x32xf32, #tpu.memory_space<vmem>> -> memref<128x32xf32, #tpu.memory_space<vmem>>
    %dma_wait3A_583 = arith.constant 0 : i32
    %dma_wait3A_584 = tpu.memref_slice %arg5[%dma_wait3A_579, %dma_wait3A_583] : memref<200x128xi32, #tpu.memory_space<vmem>> -> memref<1x128xi32, #tpu.memory_space<vmem>>
    %dma_wait3A_585 = tpu.memref_squeeze %dma_wait3A_584 : memref<1x128xi32, #tpu.memory_space<vmem>> -> memref<128xi32, #tpu.memory_space<vmem>>
    %dma_wait3A_586 = arith.constant 0 : i32
    %dma_wait3A_587 = arith.constant 0 : i32
    %dma_wait3A_588 = tpu.memref_slice %arg3[%dma_wait3A_586, %dma_wait3A_587] : memref<1000000x32xf32, #tpu.memory_space<hbm>> -> memref<1000000x32xf32, #tpu.memory_space<hbm>>
    tpu.wait_indirect_dma semaphore(%arg11 : memref<!tpu.dma_semaphore, #tpu.memory_space<semaphore_mem>>) src(%dma_wait3A_588 : memref<1000000x32xf32, #tpu.memory_space<hbm>>) dst(%dma_wait3A_582 : memref<128x32xf32, #tpu.memory_space<vmem>>)
    %dma_wait3A_589 = arith.constant 199 : i32
    %dma_wait3A_590 = arith.constant 384 : i32
    %dma_wait3A_591 = arith.constant 0 : i32
    %dma_wait3A_592 = tpu.memref_slice %arg7[%dma_wait3A_590, %dma_wait3A_591] : memref<512x32xf32, #tpu.memory_space<vmem>> -> memref<128x32xf32, #tpu.memory_space<vmem>>
    %dma_wait3A_593 = arith.constant 0 : i32
    %dma_wait3A_594 = tpu.memref_slice %arg5[%dma_wait3A_589, %dma_wait3A_593] : memref<200x128xi32, #tpu.memory_space<vmem>> -> memref<1x128xi32, #tpu.memory_space<vmem>>
    %dma_wait3A_595 = tpu.memref_squeeze %dma_wait3A_594 : memref<1x128xi32, #tpu.memory_space<vmem>> -> memref<128xi32, #tpu.memory_space<vmem>>
    %dma_wait3A_596 = arith.constant 0 : i32
    %dma_wait3A_597 = arith.constant 0 : i32
    %dma_wait3A_598 = tpu.memref_slice %arg3[%dma_wait3A_596, %dma_wait3A_597] : memref<1000000x32xf32, #tpu.memory_space<hbm>> -> memref<1000000x32xf32, #tpu.memory_space<hbm>>
    tpu.wait_indirect_dma semaphore(%arg11 : memref<!tpu.dma_semaphore, #tpu.memory_space<semaphore_mem>>) src(%dma_wait3A_598 : memref<1000000x32xf32, #tpu.memory_space<hbm>>) dst(%dma_wait3A_592 : memref<128x32xf32, #tpu.memory_space<vmem>>)
    %dma_wait3A_599 = arith.constant 188 : i32
    %dma_wait3A_600 = arith.constant 0 : i32
    %dma_wait3A_601 = arith.constant 0 : i32
    %dma_wait3A_602 = tpu.memref_slice %arg9[%dma_wait3A_600, %dma_wait3A_601] : memref<128x128xf32, #tpu.memory_space<vmem>> -> memref<32x128xf32, #tpu.memory_space<vmem>>
    %dma_wait3A_603 = arith.constant 0 : i32
    %dma_wait3A_604 = tpu.memref_slice %arg4[%dma_wait3A_599, %dma_wait3A_603, %mul3A_2] : memref<200x32x4096xf32, #tpu.memory_space<hbm>> -> memref<1x32x128xf32, #tpu.memory_space<hbm>>
    %dma_wait3A_605 = tpu.memref_squeeze %dma_wait3A_604 : memref<1x32x128xf32, #tpu.memory_space<hbm>> -> memref<32x128xf32, #tpu.memory_space<hbm>>
    %dma_wait3A_606 = arith.constant 0 : i32
    %dma_wait3A_607 = tpu.memref_slice %arg4[%dma_wait3A_599, %dma_wait3A_606, %mul3A_2] : memref<200x32x4096xf32, #tpu.memory_space<hbm>> -> memref<1x32x128xf32, #tpu.memory_space<hbm>>
    %dma_wait3A_608 = tpu.memref_squeeze %dma_wait3A_607 : memref<1x32x128xf32, #tpu.memory_space<hbm>> -> memref<32x128xf32, #tpu.memory_space<hbm>>
    %dma_wait3A_609 = arith.constant 0 : i32
    %dma_wait3A_610 = arith.constant 0 : i32
    %dma_wait3A_611 = tpu.memref_slice %arg9[%dma_wait3A_609, %dma_wait3A_610] : memref<128x128xf32, #tpu.memory_space<vmem>> -> memref<32x128xf32, #tpu.memory_space<vmem>>
    tpu.wait_dma2 semaphore(%arg13 : memref<!tpu.dma_semaphore, #tpu.memory_space<semaphore_mem>>) src(%dma_wait3A_611 : memref<32x128xf32, #tpu.memory_space<vmem>>) dst(%dma_wait3A_608 : memref<32x128xf32, #tpu.memory_space<hbm>>)
    %dma_wait3A_612 = arith.constant 189 : i32
    %dma_wait3A_613 = arith.constant 32 : i32
    %dma_wait3A_614 = arith.constant 0 : i32
    %dma_wait3A_615 = tpu.memref_slice %arg9[%dma_wait3A_613, %dma_wait3A_614] : memref<128x128xf32, #tpu.memory_space<vmem>> -> memref<32x128xf32, #tpu.memory_space<vmem>>
    %dma_wait3A_616 = arith.constant 0 : i32
    %dma_wait3A_617 = tpu.memref_slice %arg4[%dma_wait3A_612, %dma_wait3A_616, %mul3A_2] : memref<200x32x4096xf32, #tpu.memory_space<hbm>> -> memref<1x32x128xf32, #tpu.memory_space<hbm>>
    %dma_wait3A_618 = tpu.memref_squeeze %dma_wait3A_617 : memref<1x32x128xf32, #tpu.memory_space<hbm>> -> memref<32x128xf32, #tpu.memory_space<hbm>>
    %dma_wait3A_619 = arith.constant 0 : i32
    %dma_wait3A_620 = tpu.memref_slice %arg4[%dma_wait3A_612, %dma_wait3A_619, %mul3A_2] : memref<200x32x4096xf32, #tpu.memory_space<hbm>> -> memref<1x32x128xf32, #tpu.memory_space<hbm>>
    %dma_wait3A_621 = tpu.memref_squeeze %dma_wait3A_620 : memref<1x32x128xf32, #tpu.memory_space<hbm>> -> memref<32x128xf32, #tpu.memory_space<hbm>>
    %dma_wait3A_622 = arith.constant 32 : i32
    %dma_wait3A_623 = arith.constant 0 : i32
    %dma_wait3A_624 = tpu.memref_slice %arg9[%dma_wait3A_622, %dma_wait3A_623] : memref<128x128xf32, #tpu.memory_space<vmem>> -> memref<32x128xf32, #tpu.memory_space<vmem>>
    tpu.wait_dma2 semaphore(%arg13 : memref<!tpu.dma_semaphore, #tpu.memory_space<semaphore_mem>>) src(%dma_wait3A_624 : memref<32x128xf32, #tpu.memory_space<vmem>>) dst(%dma_wait3A_621 : memref<32x128xf32, #tpu.memory_space<hbm>>)
    %dma_wait3A_625 = arith.constant 190 : i32
    %dma_wait3A_626 = arith.constant 64 : i32
    %dma_wait3A_627 = arith.constant 0 : i32
    %dma_wait3A_628 = tpu.memref_slice %arg9[%dma_wait3A_626, %dma_wait3A_627] : memref<128x128xf32, #tpu.memory_space<vmem>> -> memref<32x128xf32, #tpu.memory_space<vmem>>
    %dma_wait3A_629 = arith.constant 0 : i32
    %dma_wait3A_630 = tpu.memref_slice %arg4[%dma_wait3A_625, %dma_wait3A_629, %mul3A_2] : memref<200x32x4096xf32, #tpu.memory_space<hbm>> -> memref<1x32x128xf32, #tpu.memory_space<hbm>>
    %dma_wait3A_631 = tpu.memref_squeeze %dma_wait3A_630 : memref<1x32x128xf32, #tpu.memory_space<hbm>> -> memref<32x128xf32, #tpu.memory_space<hbm>>
    %dma_wait3A_632 = arith.constant 0 : i32
    %dma_wait3A_633 = tpu.memref_slice %arg4[%dma_wait3A_625, %dma_wait3A_632, %mul3A_2] : memref<200x32x4096xf32, #tpu.memory_space<hbm>> -> memref<1x32x128xf32, #tpu.memory_space<hbm>>
    %dma_wait3A_634 = tpu.memref_squeeze %dma_wait3A_633 : memref<1x32x128xf32, #tpu.memory_space<hbm>> -> memref<32x128xf32, #tpu.memory_space<hbm>>
    %dma_wait3A_635 = arith.constant 64 : i32
    %dma_wait3A_636 = arith.constant 0 : i32
    %dma_wait3A_637 = tpu.memref_slice %arg9[%dma_wait3A_635, %dma_wait3A_636] : memref<128x128xf32, #tpu.memory_space<vmem>> -> memref<32x128xf32, #tpu.memory_space<vmem>>
    tpu.wait_dma2 semaphore(%arg13 : memref<!tpu.dma_semaphore, #tpu.memory_space<semaphore_mem>>) src(%dma_wait3A_637 : memref<32x128xf32, #tpu.memory_space<vmem>>) dst(%dma_wait3A_634 : memref<32x128xf32, #tpu.memory_space<hbm>>)
    %dma_wait3A_638 = arith.constant 191 : i32
    %dma_wait3A_639 = arith.constant 96 : i32
    %dma_wait3A_640 = arith.constant 0 : i32
    %dma_wait3A_641 = tpu.memref_slice %arg9[%dma_wait3A_639, %dma_wait3A_640] : memref<128x128xf32, #tpu.memory_space<vmem>> -> memref<32x128xf32, #tpu.memory_space<vmem>>
    %dma_wait3A_642 = arith.constant 0 : i32
    %dma_wait3A_643 = tpu.memref_slice %arg4[%dma_wait3A_638, %dma_wait3A_642, %mul3A_2] : memref<200x32x4096xf32, #tpu.memory_space<hbm>> -> memref<1x32x128xf32, #tpu.memory_space<hbm>>
    %dma_wait3A_644 = tpu.memref_squeeze %dma_wait3A_643 : memref<1x32x128xf32, #tpu.memory_space<hbm>> -> memref<32x128xf32, #tpu.memory_space<hbm>>
    %dma_wait3A_645 = arith.constant 0 : i32
    %dma_wait3A_646 = tpu.memref_slice %arg4[%dma_wait3A_638, %dma_wait3A_645, %mul3A_2] : memref<200x32x4096xf32, #tpu.memory_space<hbm>> -> memref<1x32x128xf32, #tpu.memory_space<hbm>>
    %dma_wait3A_647 = tpu.memref_squeeze %dma_wait3A_646 : memref<1x32x128xf32, #tpu.memory_space<hbm>> -> memref<32x128xf32, #tpu.memory_space<hbm>>
    %dma_wait3A_648 = arith.constant 96 : i32
    %dma_wait3A_649 = arith.constant 0 : i32
    %dma_wait3A_650 = tpu.memref_slice %arg9[%dma_wait3A_648, %dma_wait3A_649] : memref<128x128xf32, #tpu.memory_space<vmem>> -> memref<32x128xf32, #tpu.memory_space<vmem>>
    tpu.wait_dma2 semaphore(%arg13 : memref<!tpu.dma_semaphore, #tpu.memory_space<semaphore_mem>>) src(%dma_wait3A_650 : memref<32x128xf32, #tpu.memory_space<vmem>>) dst(%dma_wait3A_647 : memref<32x128xf32, #tpu.memory_space<hbm>>)
    %barrier3A_651 = arith.constant 0 : index
    tpu.barrier barrier_id(%barrier3A_651)
    %dma_start3A_652 = arith.constant 196 : i32
    %dma_start3A_653 = arith.constant 0 : i32
    %dma_start3A_654 = arith.constant 0 : i32
    %dma_start3A_655 = tpu.memref_slice %arg9[%dma_start3A_653, %dma_start3A_654] : memref<128x128xf32, #tpu.memory_space<vmem>> -> memref<32x128xf32, #tpu.memory_space<vmem>>
    %dma_start3A_656 = arith.constant 0 : i32
    %dma_start3A_657 = tpu.memref_slice %arg4[%dma_start3A_652, %dma_start3A_656, %mul3A_2] : memref<200x32x4096xf32, #tpu.memory_space<hbm>> -> memref<1x32x128xf32, #tpu.memory_space<hbm>>
    %dma_start3A_658 = tpu.memref_squeeze %dma_start3A_657 : memref<1x32x128xf32, #tpu.memory_space<hbm>> -> memref<32x128xf32, #tpu.memory_space<hbm>>
    %dma_start3A_659 = arith.constant 0 : i32
    %dma_start3A_660 = tpu.memref_slice %arg4[%dma_start3A_652, %dma_start3A_659, %mul3A_2] : memref<200x32x4096xf32, #tpu.memory_space<hbm>> -> memref<1x32x128xf32, #tpu.memory_space<hbm>>
    %dma_start3A_661 = tpu.memref_squeeze %dma_start3A_660 : memref<1x32x128xf32, #tpu.memory_space<hbm>> -> memref<32x128xf32, #tpu.memory_space<hbm>>
    %dma_start3A_662 = arith.constant 0 : i32
    %dma_start3A_663 = arith.constant 0 : i32
    %dma_start3A_664 = tpu.memref_slice %arg9[%dma_start3A_662, %dma_start3A_663] : memref<128x128xf32, #tpu.memory_space<vmem>> -> memref<32x128xf32, #tpu.memory_space<vmem>>
    tpu.enqueue_dma source(%dma_start3A_664 : memref<32x128xf32, #tpu.memory_space<vmem>>) target(%dma_start3A_661 : memref<32x128xf32, #tpu.memory_space<hbm>>) target_semaphore(%arg13 : memref<!tpu.dma_semaphore, #tpu.memory_space<semaphore_mem>>)
    %dma_start3A_665 = arith.constant 197 : i32
    %dma_start3A_666 = arith.constant 32 : i32
    %dma_start3A_667 = arith.constant 0 : i32
    %dma_start3A_668 = tpu.memref_slice %arg9[%dma_start3A_666, %dma_start3A_667] : memref<128x128xf32, #tpu.memory_space<vmem>> -> memref<32x128xf32, #tpu.memory_space<vmem>>
    %dma_start3A_669 = arith.constant 0 : i32
    %dma_start3A_670 = tpu.memref_slice %arg4[%dma_start3A_665, %dma_start3A_669, %mul3A_2] : memref<200x32x4096xf32, #tpu.memory_space<hbm>> -> memref<1x32x128xf32, #tpu.memory_space<hbm>>
    %dma_start3A_671 = tpu.memref_squeeze %dma_start3A_670 : memref<1x32x128xf32, #tpu.memory_space<hbm>> -> memref<32x128xf32, #tpu.memory_space<hbm>>
    %dma_start3A_672 = arith.constant 0 : i32
    %dma_start3A_673 = tpu.memref_slice %arg4[%dma_start3A_665, %dma_start3A_672, %mul3A_2] : memref<200x32x4096xf32, #tpu.memory_space<hbm>> -> memref<1x32x128xf32, #tpu.memory_space<hbm>>
    %dma_start3A_674 = tpu.memref_squeeze %dma_start3A_673 : memref<1x32x128xf32, #tpu.memory_space<hbm>> -> memref<32x128xf32, #tpu.memory_space<hbm>>
    %dma_start3A_675 = arith.constant 32 : i32
    %dma_start3A_676 = arith.constant 0 : i32
    %dma_start3A_677 = tpu.memref_slice %arg9[%dma_start3A_675, %dma_start3A_676] : memref<128x128xf32, #tpu.memory_space<vmem>> -> memref<32x128xf32, #tpu.memory_space<vmem>>
    tpu.enqueue_dma source(%dma_start3A_677 : memref<32x128xf32, #tpu.memory_space<vmem>>) target(%dma_start3A_674 : memref<32x128xf32, #tpu.memory_space<hbm>>) target_semaphore(%arg13 : memref<!tpu.dma_semaphore, #tpu.memory_space<semaphore_mem>>)
    %dma_start3A_678 = arith.constant 198 : i32
    %dma_start3A_679 = arith.constant 64 : i32
    %dma_start3A_680 = arith.constant 0 : i32
    %dma_start3A_681 = tpu.memref_slice %arg9[%dma_start3A_679, %dma_start3A_680] : memref<128x128xf32, #tpu.memory_space<vmem>> -> memref<32x128xf32, #tpu.memory_space<vmem>>
    %dma_start3A_682 = arith.constant 0 : i32
    %dma_start3A_683 = tpu.memref_slice %arg4[%dma_start3A_678, %dma_start3A_682, %mul3A_2] : memref<200x32x4096xf32, #tpu.memory_space<hbm>> -> memref<1x32x128xf32, #tpu.memory_space<hbm>>
    %dma_start3A_684 = tpu.memref_squeeze %dma_start3A_683 : memref<1x32x128xf32, #tpu.memory_space<hbm>> -> memref<32x128xf32, #tpu.memory_space<hbm>>
    %dma_start3A_685 = arith.constant 0 : i32
    %dma_start3A_686 = tpu.memref_slice %arg4[%dma_start3A_678, %dma_start3A_685, %mul3A_2] : memref<200x32x4096xf32, #tpu.memory_space<hbm>> -> memref<1x32x128xf32, #tpu.memory_space<hbm>>
    %dma_start3A_687 = tpu.memref_squeeze %dma_start3A_686 : memref<1x32x128xf32, #tpu.memory_space<hbm>> -> memref<32x128xf32, #tpu.memory_space<hbm>>
    %dma_start3A_688 = arith.constant 64 : i32
    %dma_start3A_689 = arith.constant 0 : i32
    %dma_start3A_690 = tpu.memref_slice %arg9[%dma_start3A_688, %dma_start3A_689] : memref<128x128xf32, #tpu.memory_space<vmem>> -> memref<32x128xf32, #tpu.memory_space<vmem>>
    tpu.enqueue_dma source(%dma_start3A_690 : memref<32x128xf32, #tpu.memory_space<vmem>>) target(%dma_start3A_687 : memref<32x128xf32, #tpu.memory_space<hbm>>) target_semaphore(%arg13 : memref<!tpu.dma_semaphore, #tpu.memory_space<semaphore_mem>>)
    %dma_start3A_691 = arith.constant 199 : i32
    %dma_start3A_692 = arith.constant 96 : i32
    %dma_start3A_693 = arith.constant 0 : i32
    %dma_start3A_694 = tpu.memref_slice %arg9[%dma_start3A_692, %dma_start3A_693] : memref<128x128xf32, #tpu.memory_space<vmem>> -> memref<32x128xf32, #tpu.memory_space<vmem>>
    %dma_start3A_695 = arith.constant 0 : i32
    %dma_start3A_696 = tpu.memref_slice %arg4[%dma_start3A_691, %dma_start3A_695, %mul3A_2] : memref<200x32x4096xf32, #tpu.memory_space<hbm>> -> memref<1x32x128xf32, #tpu.memory_space<hbm>>
    %dma_start3A_697 = tpu.memref_squeeze %dma_start3A_696 : memref<1x32x128xf32, #tpu.memory_space<hbm>> -> memref<32x128xf32, #tpu.memory_space<hbm>>
    %dma_start3A_698 = arith.constant 0 : i32
    %dma_start3A_699 = tpu.memref_slice %arg4[%dma_start3A_691, %dma_start3A_698, %mul3A_2] : memref<200x32x4096xf32, #tpu.memory_space<hbm>> -> memref<1x32x128xf32, #tpu.memory_space<hbm>>
    %dma_start3A_700 = tpu.memref_squeeze %dma_start3A_699 : memref<1x32x128xf32, #tpu.memory_space<hbm>> -> memref<32x128xf32, #tpu.memory_space<hbm>>
    %dma_start3A_701 = arith.constant 96 : i32
    %dma_start3A_702 = arith.constant 0 : i32
    %dma_start3A_703 = tpu.memref_slice %arg9[%dma_start3A_701, %dma_start3A_702] : memref<128x128xf32, #tpu.memory_space<vmem>> -> memref<32x128xf32, #tpu.memory_space<vmem>>
    tpu.enqueue_dma source(%dma_start3A_703 : memref<32x128xf32, #tpu.memory_space<vmem>>) target(%dma_start3A_700 : memref<32x128xf32, #tpu.memory_space<hbm>>) target_semaphore(%arg13 : memref<!tpu.dma_semaphore, #tpu.memory_space<semaphore_mem>>)
    %dma_wait3A_704 = arith.constant 192 : i32
    %dma_wait3A_705 = arith.constant 0 : i32
    %dma_wait3A_706 = arith.constant 0 : i32
    %dma_wait3A_707 = tpu.memref_slice %arg8[%dma_wait3A_705, %dma_wait3A_706] : memref<128x128xf32, #tpu.memory_space<vmem>> -> memref<32x128xf32, #tpu.memory_space<vmem>>
    %dma_wait3A_708 = arith.constant 0 : i32
    %dma_wait3A_709 = tpu.memref_slice %arg4[%dma_wait3A_704, %dma_wait3A_708, %mul3A_2] : memref<200x32x4096xf32, #tpu.memory_space<hbm>> -> memref<1x32x128xf32, #tpu.memory_space<hbm>>
    %dma_wait3A_710 = tpu.memref_squeeze %dma_wait3A_709 : memref<1x32x128xf32, #tpu.memory_space<hbm>> -> memref<32x128xf32, #tpu.memory_space<hbm>>
    %dma_wait3A_711 = arith.constant 0 : i32
    %dma_wait3A_712 = tpu.memref_slice %arg4[%dma_wait3A_704, %dma_wait3A_711, %mul3A_2] : memref<200x32x4096xf32, #tpu.memory_space<hbm>> -> memref<1x32x128xf32, #tpu.memory_space<hbm>>
    %dma_wait3A_713 = tpu.memref_squeeze %dma_wait3A_712 : memref<1x32x128xf32, #tpu.memory_space<hbm>> -> memref<32x128xf32, #tpu.memory_space<hbm>>
    %dma_wait3A_714 = arith.constant 0 : i32
    %dma_wait3A_715 = arith.constant 0 : i32
    %dma_wait3A_716 = tpu.memref_slice %arg8[%dma_wait3A_714, %dma_wait3A_715] : memref<128x128xf32, #tpu.memory_space<vmem>> -> memref<32x128xf32, #tpu.memory_space<vmem>>
    tpu.wait_dma2 semaphore(%arg12 : memref<!tpu.dma_semaphore, #tpu.memory_space<semaphore_mem>>) src(%dma_wait3A_716 : memref<32x128xf32, #tpu.memory_space<vmem>>) dst(%dma_wait3A_713 : memref<32x128xf32, #tpu.memory_space<hbm>>)
    %dma_wait3A_717 = arith.constant 193 : i32
    %dma_wait3A_718 = arith.constant 32 : i32
    %dma_wait3A_719 = arith.constant 0 : i32
    %dma_wait3A_720 = tpu.memref_slice %arg8[%dma_wait3A_718, %dma_wait3A_719] : memref<128x128xf32, #tpu.memory_space<vmem>> -> memref<32x128xf32, #tpu.memory_space<vmem>>
    %dma_wait3A_721 = arith.constant 0 : i32
    %dma_wait3A_722 = tpu.memref_slice %arg4[%dma_wait3A_717, %dma_wait3A_721, %mul3A_2] : memref<200x32x4096xf32, #tpu.memory_space<hbm>> -> memref<1x32x128xf32, #tpu.memory_space<hbm>>
    %dma_wait3A_723 = tpu.memref_squeeze %dma_wait3A_722 : memref<1x32x128xf32, #tpu.memory_space<hbm>> -> memref<32x128xf32, #tpu.memory_space<hbm>>
    %dma_wait3A_724 = arith.constant 0 : i32
    %dma_wait3A_725 = tpu.memref_slice %arg4[%dma_wait3A_717, %dma_wait3A_724, %mul3A_2] : memref<200x32x4096xf32, #tpu.memory_space<hbm>> -> memref<1x32x128xf32, #tpu.memory_space<hbm>>
    %dma_wait3A_726 = tpu.memref_squeeze %dma_wait3A_725 : memref<1x32x128xf32, #tpu.memory_space<hbm>> -> memref<32x128xf32, #tpu.memory_space<hbm>>
    %dma_wait3A_727 = arith.constant 32 : i32
    %dma_wait3A_728 = arith.constant 0 : i32
    %dma_wait3A_729 = tpu.memref_slice %arg8[%dma_wait3A_727, %dma_wait3A_728] : memref<128x128xf32, #tpu.memory_space<vmem>> -> memref<32x128xf32, #tpu.memory_space<vmem>>
    tpu.wait_dma2 semaphore(%arg12 : memref<!tpu.dma_semaphore, #tpu.memory_space<semaphore_mem>>) src(%dma_wait3A_729 : memref<32x128xf32, #tpu.memory_space<vmem>>) dst(%dma_wait3A_726 : memref<32x128xf32, #tpu.memory_space<hbm>>)
    %dma_wait3A_730 = arith.constant 194 : i32
    %dma_wait3A_731 = arith.constant 64 : i32
    %dma_wait3A_732 = arith.constant 0 : i32
    %dma_wait3A_733 = tpu.memref_slice %arg8[%dma_wait3A_731, %dma_wait3A_732] : memref<128x128xf32, #tpu.memory_space<vmem>> -> memref<32x128xf32, #tpu.memory_space<vmem>>
    %dma_wait3A_734 = arith.constant 0 : i32
    %dma_wait3A_735 = tpu.memref_slice %arg4[%dma_wait3A_730, %dma_wait3A_734, %mul3A_2] : memref<200x32x4096xf32, #tpu.memory_space<hbm>> -> memref<1x32x128xf32, #tpu.memory_space<hbm>>
    %dma_wait3A_736 = tpu.memref_squeeze %dma_wait3A_735 : memref<1x32x128xf32, #tpu.memory_space<hbm>> -> memref<32x128xf32, #tpu.memory_space<hbm>>
    %dma_wait3A_737 = arith.constant 0 : i32
    %dma_wait3A_738 = tpu.memref_slice %arg4[%dma_wait3A_730, %dma_wait3A_737, %mul3A_2] : memref<200x32x4096xf32, #tpu.memory_space<hbm>> -> memref<1x32x128xf32, #tpu.memory_space<hbm>>
    %dma_wait3A_739 = tpu.memref_squeeze %dma_wait3A_738 : memref<1x32x128xf32, #tpu.memory_space<hbm>> -> memref<32x128xf32, #tpu.memory_space<hbm>>
    %dma_wait3A_740 = arith.constant 64 : i32
    %dma_wait3A_741 = arith.constant 0 : i32
    %dma_wait3A_742 = tpu.memref_slice %arg8[%dma_wait3A_740, %dma_wait3A_741] : memref<128x128xf32, #tpu.memory_space<vmem>> -> memref<32x128xf32, #tpu.memory_space<vmem>>
    tpu.wait_dma2 semaphore(%arg12 : memref<!tpu.dma_semaphore, #tpu.memory_space<semaphore_mem>>) src(%dma_wait3A_742 : memref<32x128xf32, #tpu.memory_space<vmem>>) dst(%dma_wait3A_739 : memref<32x128xf32, #tpu.memory_space<hbm>>)
    %dma_wait3A_743 = arith.constant 195 : i32
    %dma_wait3A_744 = arith.constant 96 : i32
    %dma_wait3A_745 = arith.constant 0 : i32
    %dma_wait3A_746 = tpu.memref_slice %arg8[%dma_wait3A_744, %dma_wait3A_745] : memref<128x128xf32, #tpu.memory_space<vmem>> -> memref<32x128xf32, #tpu.memory_space<vmem>>
    %dma_wait3A_747 = arith.constant 0 : i32
    %dma_wait3A_748 = tpu.memref_slice %arg4[%dma_wait3A_743, %dma_wait3A_747, %mul3A_2] : memref<200x32x4096xf32, #tpu.memory_space<hbm>> -> memref<1x32x128xf32, #tpu.memory_space<hbm>>
    %dma_wait3A_749 = tpu.memref_squeeze %dma_wait3A_748 : memref<1x32x128xf32, #tpu.memory_space<hbm>> -> memref<32x128xf32, #tpu.memory_space<hbm>>
    %dma_wait3A_750 = arith.constant 0 : i32
    %dma_wait3A_751 = tpu.memref_slice %arg4[%dma_wait3A_743, %dma_wait3A_750, %mul3A_2] : memref<200x32x4096xf32, #tpu.memory_space<hbm>> -> memref<1x32x128xf32, #tpu.memory_space<hbm>>
    %dma_wait3A_752 = tpu.memref_squeeze %dma_wait3A_751 : memref<1x32x128xf32, #tpu.memory_space<hbm>> -> memref<32x128xf32, #tpu.memory_space<hbm>>
    %dma_wait3A_753 = arith.constant 96 : i32
    %dma_wait3A_754 = arith.constant 0 : i32
    %dma_wait3A_755 = tpu.memref_slice %arg8[%dma_wait3A_753, %dma_wait3A_754] : memref<128x128xf32, #tpu.memory_space<vmem>> -> memref<32x128xf32, #tpu.memory_space<vmem>>
    tpu.wait_dma2 semaphore(%arg12 : memref<!tpu.dma_semaphore, #tpu.memory_space<semaphore_mem>>) src(%dma_wait3A_755 : memref<32x128xf32, #tpu.memory_space<vmem>>) dst(%dma_wait3A_752 : memref<32x128xf32, #tpu.memory_space<hbm>>)
    %dma_wait3A_756 = arith.constant 196 : i32
    %dma_wait3A_757 = arith.constant 0 : i32
    %dma_wait3A_758 = arith.constant 0 : i32
    %dma_wait3A_759 = tpu.memref_slice %arg9[%dma_wait3A_757, %dma_wait3A_758] : memref<128x128xf32, #tpu.memory_space<vmem>> -> memref<32x128xf32, #tpu.memory_space<vmem>>
    %dma_wait3A_760 = arith.constant 0 : i32
    %dma_wait3A_761 = tpu.memref_slice %arg4[%dma_wait3A_756, %dma_wait3A_760, %mul3A_2] : memref<200x32x4096xf32, #tpu.memory_space<hbm>> -> memref<1x32x128xf32, #tpu.memory_space<hbm>>
    %dma_wait3A_762 = tpu.memref_squeeze %dma_wait3A_761 : memref<1x32x128xf32, #tpu.memory_space<hbm>> -> memref<32x128xf32, #tpu.memory_space<hbm>>
    %dma_wait3A_763 = arith.constant 0 : i32
    %dma_wait3A_764 = tpu.memref_slice %arg4[%dma_wait3A_756, %dma_wait3A_763, %mul3A_2] : memref<200x32x4096xf32, #tpu.memory_space<hbm>> -> memref<1x32x128xf32, #tpu.memory_space<hbm>>
    %dma_wait3A_765 = tpu.memref_squeeze %dma_wait3A_764 : memref<1x32x128xf32, #tpu.memory_space<hbm>> -> memref<32x128xf32, #tpu.memory_space<hbm>>
    %dma_wait3A_766 = arith.constant 0 : i32
    %dma_wait3A_767 = arith.constant 0 : i32
    %dma_wait3A_768 = tpu.memref_slice %arg9[%dma_wait3A_766, %dma_wait3A_767] : memref<128x128xf32, #tpu.memory_space<vmem>> -> memref<32x128xf32, #tpu.memory_space<vmem>>
    tpu.wait_dma2 semaphore(%arg13 : memref<!tpu.dma_semaphore, #tpu.memory_space<semaphore_mem>>) src(%dma_wait3A_768 : memref<32x128xf32, #tpu.memory_space<vmem>>) dst(%dma_wait3A_765 : memref<32x128xf32, #tpu.memory_space<hbm>>)
    %dma_wait3A_769 = arith.constant 197 : i32
    %dma_wait3A_770 = arith.constant 32 : i32
    %dma_wait3A_771 = arith.constant 0 : i32
    %dma_wait3A_772 = tpu.memref_slice %arg9[%dma_wait3A_770, %dma_wait3A_771] : memref<128x128xf32, #tpu.memory_space<vmem>> -> memref<32x128xf32, #tpu.memory_space<vmem>>
    %dma_wait3A_773 = arith.constant 0 : i32
    %dma_wait3A_774 = tpu.memref_slice %arg4[%dma_wait3A_769, %dma_wait3A_773, %mul3A_2] : memref<200x32x4096xf32, #tpu.memory_space<hbm>> -> memref<1x32x128xf32, #tpu.memory_space<hbm>>
    %dma_wait3A_775 = tpu.memref_squeeze %dma_wait3A_774 : memref<1x32x128xf32, #tpu.memory_space<hbm>> -> memref<32x128xf32, #tpu.memory_space<hbm>>
    %dma_wait3A_776 = arith.constant 0 : i32
    %dma_wait3A_777 = tpu.memref_slice %arg4[%dma_wait3A_769, %dma_wait3A_776, %mul3A_2] : memref<200x32x4096xf32, #tpu.memory_space<hbm>> -> memref<1x32x128xf32, #tpu.memory_space<hbm>>
    %dma_wait3A_778 = tpu.memref_squeeze %dma_wait3A_777 : memref<1x32x128xf32, #tpu.memory_space<hbm>> -> memref<32x128xf32, #tpu.memory_space<hbm>>
    %dma_wait3A_779 = arith.constant 32 : i32
    %dma_wait3A_780 = arith.constant 0 : i32
    %dma_wait3A_781 = tpu.memref_slice %arg9[%dma_wait3A_779, %dma_wait3A_780] : memref<128x128xf32, #tpu.memory_space<vmem>> -> memref<32x128xf32, #tpu.memory_space<vmem>>
    tpu.wait_dma2 semaphore(%arg13 : memref<!tpu.dma_semaphore, #tpu.memory_space<semaphore_mem>>) src(%dma_wait3A_781 : memref<32x128xf32, #tpu.memory_space<vmem>>) dst(%dma_wait3A_778 : memref<32x128xf32, #tpu.memory_space<hbm>>)
    %dma_wait3A_782 = arith.constant 198 : i32
    %dma_wait3A_783 = arith.constant 64 : i32
    %dma_wait3A_784 = arith.constant 0 : i32
    %dma_wait3A_785 = tpu.memref_slice %arg9[%dma_wait3A_783, %dma_wait3A_784] : memref<128x128xf32, #tpu.memory_space<vmem>> -> memref<32x128xf32, #tpu.memory_space<vmem>>
    %dma_wait3A_786 = arith.constant 0 : i32
    %dma_wait3A_787 = tpu.memref_slice %arg4[%dma_wait3A_782, %dma_wait3A_786, %mul3A_2] : memref<200x32x4096xf32, #tpu.memory_space<hbm>> -> memref<1x32x128xf32, #tpu.memory_space<hbm>>
    %dma_wait3A_788 = tpu.memref_squeeze %dma_wait3A_787 : memref<1x32x128xf32, #tpu.memory_space<hbm>> -> memref<32x128xf32, #tpu.memory_space<hbm>>
    %dma_wait3A_789 = arith.constant 0 : i32
    %dma_wait3A_790 = tpu.memref_slice %arg4[%dma_wait3A_782, %dma_wait3A_789, %mul3A_2] : memref<200x32x4096xf32, #tpu.memory_space<hbm>> -> memref<1x32x128xf32, #tpu.memory_space<hbm>>
    %dma_wait3A_791 = tpu.memref_squeeze %dma_wait3A_790 : memref<1x32x128xf32, #tpu.memory_space<hbm>> -> memref<32x128xf32, #tpu.memory_space<hbm>>
    %dma_wait3A_792 = arith.constant 64 : i32
    %dma_wait3A_793 = arith.constant 0 : i32
    %dma_wait3A_794 = tpu.memref_slice %arg9[%dma_wait3A_792, %dma_wait3A_793] : memref<128x128xf32, #tpu.memory_space<vmem>> -> memref<32x128xf32, #tpu.memory_space<vmem>>
    tpu.wait_dma2 semaphore(%arg13 : memref<!tpu.dma_semaphore, #tpu.memory_space<semaphore_mem>>) src(%dma_wait3A_794 : memref<32x128xf32, #tpu.memory_space<vmem>>) dst(%dma_wait3A_791 : memref<32x128xf32, #tpu.memory_space<hbm>>)
    %dma_wait3A_795 = arith.constant 199 : i32
    %dma_wait3A_796 = arith.constant 96 : i32
    %dma_wait3A_797 = arith.constant 0 : i32
    %dma_wait3A_798 = tpu.memref_slice %arg9[%dma_wait3A_796, %dma_wait3A_797] : memref<128x128xf32, #tpu.memory_space<vmem>> -> memref<32x128xf32, #tpu.memory_space<vmem>>
    %dma_wait3A_799 = arith.constant 0 : i32
    %dma_wait3A_800 = tpu.memref_slice %arg4[%dma_wait3A_795, %dma_wait3A_799, %mul3A_2] : memref<200x32x4096xf32, #tpu.memory_space<hbm>> -> memref<1x32x128xf32, #tpu.memory_space<hbm>>
    %dma_wait3A_801 = tpu.memref_squeeze %dma_wait3A_800 : memref<1x32x128xf32, #tpu.memory_space<hbm>> -> memref<32x128xf32, #tpu.memory_space<hbm>>
    %dma_wait3A_802 = arith.constant 0 : i32
    %dma_wait3A_803 = tpu.memref_slice %arg4[%dma_wait3A_795, %dma_wait3A_802, %mul3A_2] : memref<200x32x4096xf32, #tpu.memory_space<hbm>> -> memref<1x32x128xf32, #tpu.memory_space<hbm>>
    %dma_wait3A_804 = tpu.memref_squeeze %dma_wait3A_803 : memref<1x32x128xf32, #tpu.memory_space<hbm>> -> memref<32x128xf32, #tpu.memory_space<hbm>>
    %dma_wait3A_805 = arith.constant 96 : i32
    %dma_wait3A_806 = arith.constant 0 : i32
    %dma_wait3A_807 = tpu.memref_slice %arg9[%dma_wait3A_805, %dma_wait3A_806] : memref<128x128xf32, #tpu.memory_space<vmem>> -> memref<32x128xf32, #tpu.memory_space<vmem>>
    tpu.wait_dma2 semaphore(%arg13 : memref<!tpu.dma_semaphore, #tpu.memory_space<semaphore_mem>>) src(%dma_wait3A_807 : memref<32x128xf32, #tpu.memory_space<vmem>>) dst(%dma_wait3A_804 : memref<32x128xf32, #tpu.memory_space<hbm>>)
    return
  }
}

</mosaic_0001>

<sc_bundles>
// kernel: kernel.3.cloned.1.call-start
scs
__scs_entry_jumppad:
0x0: {  	(pc) =	sbr.rel $0x88, $3  }
0x1: {  	(tag) =	ssettag $0x0;
	lr =	simm.s32 $0x1  }
0x2: {  	[smem:$0x3F9F] =	sst lr;
	_ =	strace $0xD0000000  }
0x3: {  	_ = 	snop  }
0x4: {  	_ = 	snop  }
0x5: {  	_ = 	snop  }
0x6: {  	_ = 	snop  }
0x7: {  	_ = 	snop  }
__scs_overlays_trampoline_lowered:
0x8: {  	[smem:$0x3FAE] =	sst s0  }
0x9: {  	[smem:$0x3FAF] =	sst s1  }
0xa: {  	[smem:$0x3FB0] =	sst s2  }
0xb: {  	[smem:$0x3FB1] =	sst s3  }
0xc: {  	[smem:$0x3FB2] =	sst s4  }
0xd: {  	[smem:$0x3FB3] =	sst s5  }
0xe: {  	[smem:$0x3FB4] =	sst s6  }
0xf: {  	[smem:$0x3FB5] =	sst s7  }
0x10: {  	[smem:$0x3FB6] =	sst s8  }
0x11: {  	[smem:$0x3FB7] =	sst s9;
	s0 =	simm.s32 @!p0 $0x0  }
0x12: {  	s1 =	sld [smem:$0x3F9D];
	s0 =	simm.s32 @p0 $0x1  }
0x13: {  	[smem:$0x3FB8] =	sst s0;
	s0 =	simm.s32 @!p1 $0x0  }
0x14: {  	s2 =	sld [smem:$0x3F9C];
	s0 =	simm.s32 @p1 $0x1  }
0x15: {  	[smem:$0x3FB9] =	sst s0;
	s0 =	simm.s32 @!p2 $0x0  }
0x16: {  	s3 =	sld [smem:$0x3FDB];
	s0 =	simm.s32 @p2 $0x1  }
0x17: {  	s4 =	simm.s32 $0x1BF5;
	[smem:$0x3FBB] =	sst s0  }
0x18: {  	s0 =	sld [smem:$0x3F9E];
	_ =	swait.ge [sflag:s4], $0x0  }
0x19: {  	s7 =	sld [smem:$0x3F9F]  }
0x1a: {  	s8 =	sadd.s32 $0xFFFFE003, lr  }
0x1b: {  	s9 =	sadd.s32 $0xFFFFFEF7, lr;
	s5 =	simm.s32 $0xFFFFFFFF;
	p2 =	slt.u32 s8, $0xFFFFF086  }
0x1c: {  	p1 =	slt.u32 s9, $0xF7A;
	s5 =	simm.s32 @!p2 $0x0  }
0x1d: {  	s5 =	simm.s32 @p1 $0x1;
	p0 =	seq.s32 s7, s2  }
0x1e: {  	s7 =	smul.u32 @!p0 $0xF7A, s2;
	p2 =	seq.s32 @!p0 s5, $0x0  }
0x1f: {  	s9 =	smul.u32 $0xF7A, s1;
	s8 =	simm.s32 @!p0 $0x1BF5;
	p2 =	por !p2, p0  }
0x20: {  	[sflag:s8] =	ssyncset.s32 @!p0 $0xFFFFF086;
	s6 =	sadd.s32 @!p0 s3, s7;
	s7 =	simm.s32 @!p0 $0x108  }
0x21: {  	s3 =	sadd.s32 s3, s9;
	s6 =	sadd.s32 @!p0 $0x88, s6;
	s7 =	simm.s32 @p2 $0x1082  }
0x22: {  	[simem:s7], [sflag:s8] =	dma.local @!p0 [hbm:s6], $0xF7A  }
0x23: {  	s9 =	sor.u32 $0xD0000000, s2;
	s6 =	simm.s32 $0x108;
	_ =	swait.ge @!p0 [sflag:s8], $0x0  }
0x24: {  	s3 =	sadd.s32 $0x88, s3;
	s6 =	simm.s32 @!p1 $0x1082;
	[sflag:s4] =	ssyncset.s32 $0xFFFFF086  }
0x25: {  	[simem:s6], [sflag:s4] =	dma.local [hbm:s3], $0xF7A  }
0x26: {  	[smem:$0x3F9F] =	sst s1;
	(tag) =	ssettag s2;
	_ =	strace s9  }
0x27: {  	s1 =	sld [smem:$0x3FAF]  }
0x28: {  	s2 =	sld [smem:$0x3FB0]  }
0x29: {  	s4 =	sld [smem:$0x3FB2]  }
0x2a: {  	p0 =	seq.s32 s5, $0x0;
	s5 =	sld [smem:$0x3FB3]  }
0x2b: {  	s6 =	sld [smem:$0x3FB4]  }
0x2c: {  	s7 =	sld [smem:$0x3FB5]  }
0x2d: {  	s3 =	simm.s32 $0x108;
	s8 =	sld [smem:$0x3FB6]  }
0x2e: {  	s3 =	simm.s32 @!p0 $0x1082;
	s9 =	sld [smem:$0x3FB7]  }
0x2f: {  	lr =	sadd.s32 s0, s3;
	s0 =	sld [smem:$0x3FAE]  }
0x30: {  	s3 =	sld [smem:$0x3FB1]  }
0x31: {  	[smem:$0x3FBA] =	sst s10  }
0x32: {  	s10 =	sld [smem:$0x3FB8];
	_ =	sdelay $0x3  }
0x33: {  	p0 =	seq.s32 s10, $0x1;
	s10 =	sld [smem:$0x3FBA];
	_ =	sdelay $0x3  }
0x34: {  	[smem:$0x3FBA] =	sst s10  }
0x35: {  	s10 =	sld [smem:$0x3FB9];
	_ =	sdelay $0x3  }
0x36: {  	p1 =	seq.s32 s10, $0x1;
	s10 =	sld [smem:$0x3FBA];
	_ =	sdelay $0x3  }
0x37: {  	[smem:$0x3FBA] =	sst s10  }
0x38: {  	s10 =	sld [smem:$0x3FBB]  }
0x39: {  	_ = 	snop;
	(pc) =	sbr.ind lr, $3  }
0x3a: {  	_ = 	snop  }
0x3b: {  	_ = 	snop  }
0x3c: {  	p2 =	seq.s32 s10, $0x1;
	s10 =	sld [smem:$0x3FBA]  }
0x3d: {  	_ =	shalt  }
0x3e: {  	_ =	shalt  }
0x3f: {  	_ =	shalt  }
0x40: {  	_ =	shalt  }
0x41: {  	_ =	shalt  }
0x42: {  	_ =	shalt  }
0x43: {  	_ =	shalt  }
0x44: {  	_ =	shalt  }
0x45: {  	_ =	shalt  }
0x46: {  	_ =	shalt  }
0x47: {  	_ =	shalt  }
0x48: {  	_ =	shalt  }
0x49: {  	_ =	shalt  }
0x4a: {  	_ =	shalt  }
0x4b: {  	_ =	shalt  }
0x4c: {  	_ =	shalt  }
0x4d: {  	_ =	shalt  }
0x4e: {  	_ =	shalt  }
0x4f: {  	_ =	shalt  }
0x50: {  	_ =	shalt  }
0x51: {  	_ =	shalt  }
0x52: {  	_ =	shalt  }
0x53: {  	_ =	shalt  }
0x54: {  	_ =	shalt  }
0x55: {  	_ =	shalt  }
0x56: {  	_ =	shalt  }
0x57: {  	_ =	shalt  }
0x58: {  	_ =	shalt  }
0x59: {  	_ =	shalt  }
0x5a: {  	_ =	shalt  }
0x5b: {  	_ =	shalt  }
0x5c: {  	_ =	shalt  }
0x5d: {  	_ =	shalt  }
0x5e: {  	_ =	shalt  }
0x5f: {  	_ =	shalt  }
0x60: {  	_ =	shalt  }
0x61: {  	_ =	shalt  }
0x62: {  	_ =	shalt  }
0x63: {  	_ =	shalt  }
0x64: {  	_ =	shalt  }
0x65: {  	_ =	shalt  }
0x66: {  	_ =	shalt  }
0x67: {  	_ =	shalt  }
0x68: {  	_ =	shalt  }
0x69: {  	_ =	shalt  }
0x6a: {  	_ =	shalt  }
0x6b: {  	_ =	shalt  }
0x6c: {  	_ =	shalt  }
0x6d: {  	_ =	shalt  }
0x6e: {  	_ =	shalt  }
0x6f: {  	_ =	shalt  }
0x70: {  	_ =	shalt  }
0x71: {  	_ =	shalt  }
0x72: {  	_ =	shalt  }
0x73: {  	_ =	shalt  }
0x74: {  	_ =	shalt  }
0x75: {  	_ =	shalt  }
0x76: {  	_ =	shalt  }
0x77: {  	_ =	shalt  }
0x78: {  	_ =	shalt  }
0x79: {  	_ =	shalt  }
0x7a: {  	_ =	shalt  }
0x7b: {  	_ =	shalt  }
0x7c: {  	_ =	shalt  }
0x7d: {  	_ =	shalt  }
0x7e: {  	_ =	shalt  }
0x7f: {  	_ =	shalt  }
0x80: {  	_ =	shalt  }
0x81: {  	_ =	shalt  }
0x82: {  	_ =	shalt  }
0x83: {  	_ =	shalt  }
0x84: {  	_ =	shalt  }
0x85: {  	_ =	shalt  }
0x86: {  	_ =	shalt  }
0x87: {  	_ =	shalt  }
.Lfunc_end0:
.L_simem_size_0:
called_computation_lowered:
.L_overlay_start_0:
0x88: {  	s2 =	sld [smem:$0x3FD9]  }
0x89: {  	s3 =	sld [smem:$0x3FFE];
	_ =	sdelay $0x1  }
0x8a: {  	s1 =	srdreg.scid  }
0x8b: {  	s0 =	sand.u32 $0x1, s1  }
0x8c: {  	s17 =	sshll.u32 s0, $0xA;
	s2 =	sadd.s32 s3, s2  }
0x8d: {  	s2 =	sadd.s32 s2, s17  }
0x8e: {  	[smem:$0x3FC6] =	sst s2  }
0x8f: {  	_ = 	snop  }
0x90: {  	s2 =	sld [smem:$0x3FD0];
	(tm) =	ssettm $0x1  }
0x91: {  	s18 =	sld [smem:$0x3FFB];
	_ =	sdelay $0x3  }
0x92: {  	_ =	strace s18  }
0x93: {  	s3 =	sld [smem:$0x3FFC];
	_ =	sdelay $0x3  }
0x94: {  	_ =	strace s3  }
0x95: {  	s3 =	sld [smem:$0x3FFD];
	_ =	sdelay $0x3  }
0x96: {  	_ =	strace s3  }
0x97: {  	_ =	strace $0x8FFFFFFF  }
0x98: {  	s19 =	sld [smem:$0x3FDB];
	_ =	sdelay $0x1  }
0x99: {  	s4 =	simm.s32 $_scs_section_size  }
0x9a: {  	s5 =	simm.s32 $_size__tile_overlayer_lowered;
	s6 =	simm.s32 $_tile_overlayer_lowered  }
0x9b: {  	s22 =	simm.s32 $0x1BFF;
	s21 =	sshll.u32 s6, $0x1;
	s3 =	sadd.s32 s4, s19  }
0x9c: {  	s7 =	simm.s32 $0x0;
	s20 =	sshll.u32 s5, $0x1;
	s5 =	sadd.s32 s21, s3  }
0x9d: {  	[timem:s7], [sflag:s22] =	dma.local [hbm:s5], s20  }
0x9e: {  	_ =	swait.ge [sflag:s22], s20  }
0x9f: {  	s4 =	ssub.s32 $0x0, s20;
	[sflag:s22] =	ssyncset.done $0x0  }
0xa0: {  	[sflag:s22] =	ssyncadd.s32 s4;
	_ =	sdelay $0x1  }
0xa1: {  	s23 =	simm.s32 $0x1B8B  }
0xa2: {  	_ =	swait.ge [sflag:s23], $0x1  }
0xa3: {  	[sflag:s23] =	ssyncset.done $0x0  }
0xa4: {  	s25 =	simm.s32 $0x1B8E;
	s24 =	sld [smem:$0x3FFE];
	[sflag:s23] =	ssyncadd.s32 $0xFFFFFFFF  }
0xa5: {  	s26 =	simm.s32 $execute0_lowered;
	[smem:$0x3FD2] =	sst s25  }
0xa6: {  	s5 =	sshll.u32 s26, $0x1;
	_ =	strace $0x80000046;
	[dreg:$0x1] =	wrdreg $0xFFFFFFFF  }
0xa7: {  	s28 =	simm.s32 $_size_execute0_lowered;
	s3 =	sadd.s32 s3, s5;
	[dreg:$0x0] =	wrdreg $0x0  }
0xa8: {  	s5 =	sshll.u32 s28, $0x1;
	[dreg:$0x2] =	wrdreg s3  }
0xa9: {  	[dreg:$0x3] =	wrdreg s5  }
0xaa: {  	[dreg:$0x4] =	wrdreg $0xC0  }
0xab: {  	_ =	task [dreg:s7], $0x5FFFF  }
0xac: {  	[dreg:$0x1] =	wrdreg $0xFFFFFFFF  }
0xad: {  	[dreg:$0x0] =	wrdreg $0x60  }
0xae: {  	[dreg:$0x2] =	wrdreg s2  }
0xaf: {  	[dreg:$0x3] =	wrdreg s24  }
0xb0: {  	[dreg:$0x4] =	wrdreg $0x9  }
0xb1: {  	_ =	task.clear_ibuf [dreg:s7], $0x5FFFF;
	_ =	strace $0x90000046  }
0xb2: {  	s29 =	simm.s32 $0x9;
	_ =	strace $0x80000048  }
0xb3: {  	_ =	swait.ge [sflag:s29], $0x1  }
0xb4: {  	[sflag:s29] =	ssyncadd.s32 $0xFFFFFFFF  }
0xb5: {  	_ =	strace $0x90000048  }
0xb6: {  	_ =	sfence  }
0xb7: {  	s30 =	sld [smem:$0x0];
	_ =	sdelay $0x2  }
0xb8: {  	s31 =	sshll.u32 s1, $0xD;
	s1 =	sshrl.u32 s1, $0x2  }
0xb9: {  	s3 =	sand.u32 $0x4000, s31;
	s1 =	sadd.s32 s1, s30  }
0xba: {  	s0 =	sor.u32 s3, s0;
	s1 =	sshll.u32 s1, $0x11  }
0xbb: {  	s0 =	sor.u32 s1, s0  }
0xbc: {  	s0 =	sadd.s32 $0x8F2B, s0  }
0xbd: {  	[sflag:s0] =	ssyncadd.remote.s32 $0x1  }
0xbe: {  	_ =	sfence.sel $0xFFFF  }
0xbf: {  	[dreg:$0x0] =	wrdreg $0xFFFFFFFF;
	(pc) =	sbr.abs _section_cstart, $3  }
0xc0: {  	[dreg:$0x1] =	wrdreg $0xFFFFFFFF  }
0xc1: {  	_ =	task.clear_ibuf [dreg:s7], $0x2FFFF;
	_ =	strace $0x9FFFFFFF  }
0xc2: {  	(tm) =	ssettm $0x7FFFFFFF  }
0xc3: {  	_ =	shalt  }
tec
execute0_lowered:
.L_overlay_start_1:
0x0: {  	(tag) =	ssettag $0x1  }
0x1: {  	s0 =	rddreg [dreg:$0x0];
	s2 =	srdreg.scid  }
0x2: {  	s1 =	rddreg [dreg:$0x1];
	s3 =	stileid.u32;
	s2 =	sand.u32 $0x1, s2  }
0x3: {  	s4 =	simm.s32 $0x0;
	s3 =	sshll.u32 s3, $0x8;
	s17 =	sshll.u32 s2, $0x7  }
0x4: {  	[smem:$0x7FF] =	sst s4;
	s4 =	sadd.s32 $0xF42A00, s1;
	s5 =	sor.u32 s17, s3  }
0x5: {  	_ =	strace $0x80000047;
	s2 =	ssub.s32 $0x2, s2;
	s6 =	sshrl.u32 s5, $0x3  }
0x6: {  	s3 =	sadd.s32 $0x600, s1;
	s12 =	sor.u32 $0x1C0000, s5;
	s0 =	sadd.s32 s0, s6  }
0x7: {  	s14 =	sor.u32 $0x1A0000, s5;
	s13 =	sshrl.u32 s12, $0x3;
	[dreg:$0xb] =	wrdreg s0  }
0x8: {  	s16 =	sor.u32 $0x180000, s5;
	s15 =	sshrl.u32 s14, $0x3;
	[dreg:$0x4] =	wrdreg s13  }
0x9: {  	s18 =	sshrl.u32 s2, $0x1;
	s17 =	sshrl.u32 s16, $0x3;
	[dreg:$0x5] =	wrdreg s15  }
0xa: {  	s1 =	ssub.s32 s2, s18;
	s7 =	sadd.s32 s3, s6;
	[dreg:$0x6] =	wrdreg s17  }
0xb: {  	s1 =	smax.u32 s1, $0x1;
	[dreg:$0xa] =	wrdreg s7  }
0xc: {  	s19 =	sadd.s32 $0x4000, s7;
	[dreg:$0x1b] =	wrdreg s1  }
0xd: {  	s28 =	simm.s32 $0x6400;
	s20 =	sadd.s32 $0x8000, s7;
	[dreg:$0xc] =	wrdreg s19  }
0xe: {  	s29 =	simm.s32 $0x7400;
	s21 =	sadd.s32 $0xC000, s7;
	[dreg:$0xd] =	wrdreg s20  }
0xf: {  	s31 =	simm.s32 $0x8400;
	s22 =	sadd.s32 $0x10000, s7;
	[dreg:$0xe] =	wrdreg s21  }
0x10: {  	s30 =	simm.s32 $0xB400;
	s23 =	sadd.s32 $0x14000, s7;
	[dreg:$0xf] =	wrdreg s22  }
0x11: {  	s10 =	sor.u32 $0x1E0000, s5;
	s24 =	sadd.s32 $0x18000, s7;
	[dreg:$0x10] =	wrdreg s23  }
0x12: {  	s18 =	sor.u32 $0x160000, s5;
	s25 =	sadd.s32 $0x1C000, s7;
	[dreg:$0x11] =	wrdreg s24  }
0x13: {  	s12 =	simm.s32 $0x2;
	s26 =	sadd.s32 $0x300000, s7;
	[dreg:$0x12] =	wrdreg s25  }
0x14: {  	s14 =	simm.s32 $0x13400;
	s2 =	sadd.s32 $0x304000, s7;
	[dreg:$0x13] =	wrdreg s26  }
0x15: {  	s16 =	simm.s32 $0x15400;
	s6 =	sadd.s32 $0x308000, s7;
	[dreg:$0x14] =	wrdreg s2  }
0x16: {  	s8 =	sadd.s32 $0x30C000, s7;
	s9 =	sadd.s32 $0x310000, s7;
	[dreg:$0x15] =	wrdreg s6  }
0x17: {  	s11 =	sadd.s32 $0x314000, s7;
	s0 =	sshrl.u32 s10, $0x3;
	[dreg:$0x16] =	wrdreg s8  }
0x18: {  	s1 =	simm.s32 $0x9400;
	s10 =	simm.s32 $0x10400;
	[dreg:$0x17] =	wrdreg s9  }
0x19: {  	s13 =	simm.s32 $0x12400;
	s15 =	simm.s32 $0x14400;
	[dreg:$0x18] =	wrdreg s11  }
0x1a: {  	s17 =	simm.s32 $0x3;
	[dreg:$0x3] =	wrdreg s0;
	s19 =	sshrl.u32 s18, $0x3  }
0x1b: {  	s20 =	sor.u32 $0x140000, s5;
	s22 =	sor.u32 $0x120000, s5;
	s23 =	sadd.s32 $0x318000, s7  }
0x1c: {  	s25 =	sadd.s32 $0x31C000, s7;
	s26 =	sor.u32 $0x100000, s5;
	s0 =	simm.s32 $0xA400  }
0x1d: {  	s2 =	simm.s32 $0xC400;
	s6 =	simm.s32 $0xD400;
	[dreg:$0x7] =	wrdreg s19  }
0x1e: {  	s7 =	simm.s32 $0x1;
	s8 =	simm.s32 $0xE400;
	[dreg:$0x19] =	wrdreg s23  }
0x1f: {  	s9 =	simm.s32 $0xF400;
	s11 =	simm.s32 $0x11400;
	[dreg:$0x1a] =	wrdreg s25  }
0x20: {  	s18 =	simm.s32 $0x4;
	s21 =	sshrl.u32 s20, $0x3;
	[dreg:$0x1c] =	wrdreg s26  }
0x21: {  	s24 =	sshrl.u32 s22, $0x3;
	s25 =	simm.s32 $0x1000;
	[dreg:$0x8] =	wrdreg s21  }
0x22: {  	s19 =	simm.s32 $0x0;
	[dreg:$0x9] =	wrdreg s24;
	s24 =	simm.s32 $0x80  }
.LBB2_1:
0x23: {  	[dreg:$0x1d] =	wrdreg s19  }
0x24: {  	s5 =	simm.s32 $0x0;
	s21 =	rddreg [dreg:$0xb];
	s22 =	simm.s32 $0x5  }
0x25: {  	[tilespmem:s5], [sflag:$0x5] =	stream.strided.gather [hbm4b:s21+s24], $0x6400, s25, s24, $0x38;
	[tilespmem:$0x16400] =	vst v63  }
0x26: {  	_ =	swait.ge [sflag:s22], $0x6400  }
0x27: {  	[sflag:s22] =	ssyncset.done $0x0  }
0x28: {  	[sflag:s22] =	ssyncadd.s32 $0xFFFF9C00  }
0x29: {  	[tilespmem:s28], [sflag:$0x1] =	stream.indirect.gather [hbm4b:s4+s24], $0x20, s5, s24, $0xb8;
	[tilespmem:$0x16400] =	vst v63  }
0x2a: {  	_ = 	snop  }
0x2b: {  	[tilespmem:s29], [sflag:$0x1] =	stream.indirect.gather [hbm4b:s4+s24], $0x20, s24, s24, $0xb8;
	[tilespmem:$0x16400] =	vst v63  }
0x2c: {  	s23 =	simm.s32 $0x100  }
0x2d: {  	[tilespmem:s31], [sflag:$0x1] =	stream.indirect.gather [hbm4b:s4+s24], $0x20, s23, s24, $0xb8;
	[tilespmem:$0x16400] =	vst v63  }
0x2e: {  	s26 =	simm.s32 $0x180  }
0x2f: {  	[tilespmem:s1], [sflag:$0x1] =	stream.indirect.gather [hbm4b:s4+s24], $0x20, s26, s24, $0xb8;
	[tilespmem:$0x16400] =	vst v63  }
0x30: {  	s19 =	simm.s32 $0x200  }
0x31: {  	[tilespmem:s0], [sflag:$0x2] =	stream.indirect.gather [hbm4b:s4+s24], $0x20, s19, s24, $0xb8;
	[tilespmem:$0x16400] =	vst v63  }
0x32: {  	s20 =	simm.s32 $0x280  }
0x33: {  	[tilespmem:s30], [sflag:$0x2] =	stream.indirect.gather [hbm4b:s4+s24], $0x20, s20, s24, $0xb8;
	[tilespmem:$0x16400] =	vst v63  }
0x34: {  	s21 =	simm.s32 $0x300  }
0x35: {  	[tilespmem:s2], [sflag:$0x2] =	stream.indirect.gather [hbm4b:s4+s24], $0x20, s21, s24, $0xb8;
	[tilespmem:$0x16400] =	vst v63  }
0x36: {  	s22 =	simm.s32 $0x380  }
0x37: {  	[tilespmem:s6], [sflag:$0x2] =	stream.indirect.gather [hbm4b:s4+s24], $0x20, s22, s24, $0xb8;
	[tilespmem:$0x16400] =	vst v63  }
0x38: {  	_ =	swait.ge [sflag:s7], $0x1000  }
0x39: {  	[sflag:s7] =	ssyncset.done $0x0  }
0x3a: {  	[sflag:s7] =	ssyncadd.s32 $0xFFFFF000  }
0x3b: {  	_ =	swait.ge [sflag:s7], $0x1000  }
0x3c: {  	[sflag:s7] =	ssyncset.done $0x0  }
0x3d: {  	[sflag:s7] =	ssyncadd.s32 $0xFFFFF000  }
0x3e: {  	_ =	swait.ge [sflag:s7], $0x1000  }
0x3f: {  	[sflag:s7] =	ssyncset.done $0x0  }
0x40: {  	[sflag:s7] =	ssyncadd.s32 $0xFFFFF000  }
0x41: {  	_ =	swait.ge [sflag:s7], $0x1000  }
0x42: {  	[sflag:s7] =	ssyncset.done $0x0  }
0x43: {  	[sflag:s7] =	ssyncadd.s32 $0xFFFFF000  }
0x44: {  	[bflag:$0x0] =	sbarrier.arrive $0xFFFF  }
0x45: {  	s23 =	rddreg [dreg:$0xa]  }
0x46: {  	[hbm4b:s23+s24] =	stream.strided.scatter [tilespmem:s8], [sflag:$0x3], $0x1000, s25, s24, $0x38;
	[tilespmem:$0x16400] =	vst v63  }
0x47: {  	s26 =	rddreg [dreg:$0xc]  }
0x48: {  	[hbm4b:s26+s24] =	stream.strided.scatter [tilespmem:s9], [sflag:$0x3], $0x1000, s25, s24, $0x38;
	[tilespmem:$0x16400] =	vst v63  }
0x49: {  	s19 =	rddreg [dreg:$0xd]  }
0x4a: {  	[hbm4b:s19+s24] =	stream.strided.scatter [tilespmem:s10], [sflag:$0x3], $0x1000, s25, s24, $0x38;
	[tilespmem:$0x16400] =	vst v63  }
0x4b: {  	s20 =	rddreg [dreg:$0xe]  }
0x4c: {  	[hbm4b:s20+s24] =	stream.strided.scatter [tilespmem:s11], [sflag:$0x3], $0x1000, s25, s24, $0x38;
	[tilespmem:$0x16400] =	vst v63  }
0x4d: {  	s21 =	simm.s32 $0x400  }
0x4e: {  	[tilespmem:s28], [sflag:$0x1] =	stream.indirect.gather [hbm4b:s4+s24], $0x20, s21, s24, $0xb8;
	[tilespmem:$0x16400] =	vst v63  }
0x4f: {  	s22 =	simm.s32 $0x480  }
0x50: {  	[tilespmem:s29], [sflag:$0x1] =	stream.indirect.gather [hbm4b:s4+s24], $0x20, s22, s24, $0xb8;
	[tilespmem:$0x16400] =	vst v63  }
0x51: {  	s23 =	simm.s32 $0x500  }
0x52: {  	[tilespmem:s31], [sflag:$0x1] =	stream.indirect.gather [hbm4b:s4+s24], $0x20, s23, s24, $0xb8;
	[tilespmem:$0x16400] =	vst v63  }
0x53: {  	s26 =	simm.s32 $0x580  }
0x54: {  	[tilespmem:s1], [sflag:$0x1] =	stream.indirect.gather [hbm4b:s4+s24], $0x20, s26, s24, $0xb8;
	[tilespmem:$0x16400] =	vst v63  }
0x55: {  	_ =	swait.ge [sflag:s12], $0x1000  }
0x56: {  	[sflag:s12] =	ssyncset.done $0x0  }
0x57: {  	[sflag:s12] =	ssyncadd.s32 $0xFFFFF000  }
0x58: {  	_ =	swait.ge [sflag:s12], $0x1000  }
0x59: {  	[sflag:s12] =	ssyncset.done $0x0  }
0x5a: {  	[sflag:s12] =	ssyncadd.s32 $0xFFFFF000  }
0x5b: {  	_ =	swait.ge [sflag:s12], $0x1000  }
0x5c: {  	[sflag:s12] =	ssyncset.done $0x0  }
0x5d: {  	[sflag:s12] =	ssyncadd.s32 $0xFFFFF000  }
0x5e: {  	_ =	swait.ge [sflag:s12], $0x1000  }
0x5f: {  	[sflag:s12] =	ssyncset.done $0x0  }
0x60: {  	[sflag:s12] =	ssyncadd.s32 $0xFFFFF000  }
0x61: {  	[bflag:$0x0] =	sbarrier.arrive $0xFFFF  }
0x62: {  	s19 =	rddreg [dreg:$0xf]  }
0x63: {  	[hbm4b:s19+s24] =	stream.strided.scatter [tilespmem:s13], [sflag:$0x4], $0x1000, s25, s24, $0x38;
	[tilespmem:$0x16400] =	vst v63  }
0x64: {  	s20 =	rddreg [dreg:$0x10]  }
0x65: {  	[hbm4b:s20+s24] =	stream.strided.scatter [tilespmem:s14], [sflag:$0x4], $0x1000, s25, s24, $0x38;
	[tilespmem:$0x16400] =	vst v63  }
0x66: {  	s21 =	rddreg [dreg:$0x11]  }
0x67: {  	[hbm4b:s21+s24] =	stream.strided.scatter [tilespmem:s15], [sflag:$0x4], $0x1000, s25, s24, $0x38;
	[tilespmem:$0x16400] =	vst v63  }
0x68: {  	s22 =	rddreg [dreg:$0x12]  }
0x69: {  	[hbm4b:s22+s24] =	stream.strided.scatter [tilespmem:s16], [sflag:$0x4], $0x1000, s25, s24, $0x38;
	[tilespmem:$0x16400] =	vst v63  }
0x6a: {  	s23 =	simm.s32 $0x600  }
0x6b: {  	[tilespmem:s0], [sflag:$0x2] =	stream.indirect.gather [hbm4b:s4+s24], $0x20, s23, s24, $0xb8;
	[tilespmem:$0x16400] =	vst v63  }
0x6c: {  	s26 =	simm.s32 $0x680  }
0x6d: {  	[tilespmem:s30], [sflag:$0x2] =	stream.indirect.gather [hbm4b:s4+s24], $0x20, s26, s24, $0xb8;
	[tilespmem:$0x16400] =	vst v63  }
0x6e: {  	s19 =	simm.s32 $0x700  }
0x6f: {  	[tilespmem:s2], [sflag:$0x2] =	stream.indirect.gather [hbm4b:s4+s24], $0x20, s19, s24, $0xb8;
	[tilespmem:$0x16400] =	vst v63  }
0x70: {  	s20 =	simm.s32 $0x780  }
0x71: {  	[tilespmem:s6], [sflag:$0x2] =	stream.indirect.gather [hbm4b:s4+s24], $0x20, s20, s24, $0xb8;
	[tilespmem:$0x16400] =	vst v63  }
0x72: {  	_ =	swait.ge [sflag:s7], $0x1000  }
0x73: {  	[sflag:s7] =	ssyncset.done $0x0  }
0x74: {  	[sflag:s7] =	ssyncadd.s32 $0xFFFFF000  }
0x75: {  	_ =	swait.ge [sflag:s7], $0x1000  }
0x76: {  	[sflag:s7] =	ssyncset.done $0x0  }
0x77: {  	[sflag:s7] =	ssyncadd.s32 $0xFFFFF000  }
0x78: {  	_ =	swait.ge [sflag:s7], $0x1000  }
0x79: {  	[sflag:s7] =	ssyncset.done $0x0  }
0x7a: {  	[sflag:s7] =	ssyncadd.s32 $0xFFFFF000  }
0x7b: {  	_ =	swait.ge [sflag:s7], $0x1000  }
0x7c: {  	[sflag:s7] =	ssyncset.done $0x0  }
0x7d: {  	[sflag:s7] =	ssyncadd.s32 $0xFFFFF000  }
0x7e: {  	_ =	swait.ge [sflag:s17], $0x1000  }
0x7f: {  	[sflag:s17] =	ssyncset.done $0x0  }
0x80: {  	[sflag:s17] =	ssyncadd.s32 $0xFFFFF000  }
0x81: {  	_ =	swait.ge [sflag:s17], $0x1000  }
0x82: {  	[sflag:s17] =	ssyncset.done $0x0  }
0x83: {  	[sflag:s17] =	ssyncadd.s32 $0xFFFFF000  }
0x84: {  	_ =	swait.ge [sflag:s17], $0x1000  }
0x85: {  	[sflag:s17] =	ssyncset.done $0x0  }
0x86: {  	[sflag:s17] =	ssyncadd.s32 $0xFFFFF000  }
0x87: {  	_ =	swait.ge [sflag:s17], $0x1000  }
0x88: {  	[sflag:s17] =	ssyncset.done $0x0  }
0x89: {  	[sflag:s17] =	ssyncadd.s32 $0xFFFFF000  }
0x8a: {  	[bflag:$0x0] =	sbarrier.arrive $0xFFFF  }
0x8b: {  	s19 =	rddreg [dreg:$0x1c]  }
0x8c: {  	s21 =	sshrl.u32 s19, $0x3  }
0x8d: {  	s20 =	rddreg [dreg:$0x9];
	s5 =	sadd.s32 s3, s21  }
0x8e: {  	[hbm4b:s5+s24] =	stream.strided.scatter [tilespmem:s8], [sflag:$0x3], $0x1000, s25, s24, $0x38;
	[tilespmem:$0x16400] =	vst v63  }
0x8f: {  	s22 =	sadd.s32 s3, s20;
	s21 =	rddreg [dreg:$0x8]  }
0x90: {  	[hbm4b:s22+s24] =	stream.strided.scatter [tilespmem:s9], [sflag:$0x3], $0x1000, s25, s24, $0x38;
	[tilespmem:$0x16400] =	vst v63  }
0x91: {  	s23 =	rddreg [dreg:$0x7];
	s26 =	sadd.s32 s3, s21  }
0x92: {  	[hbm4b:s26+s24] =	stream.strided.scatter [tilespmem:s10], [sflag:$0x3], $0x1000, s25, s24, $0x38;
	[tilespmem:$0x16400] =	vst v63  }
0x93: {  	s21 =	sadd.s32 s3, s23  }
0x94: {  	[hbm4b:s21+s24] =	stream.strided.scatter [tilespmem:s11], [sflag:$0x3], $0x1000, s25, s24, $0x38;
	[tilespmem:$0x16400] =	vst v63  }
0x95: {  	s22 =	simm.s32 $0x800  }
0x96: {  	[tilespmem:s28], [sflag:$0x1] =	stream.indirect.gather [hbm4b:s4+s24], $0x20, s22, s24, $0xb8;
	[tilespmem:$0x16400] =	vst v63  }
0x97: {  	s23 =	simm.s32 $0x880  }
0x98: {  	[tilespmem:s29], [sflag:$0x1] =	stream.indirect.gather [hbm4b:s4+s24], $0x20, s23, s24, $0xb8;
	[tilespmem:$0x16400] =	vst v63  }
0x99: {  	s26 =	simm.s32 $0x900  }
0x9a: {  	[tilespmem:s31], [sflag:$0x1] =	stream.indirect.gather [hbm4b:s4+s24], $0x20, s26, s24, $0xb8;
	[tilespmem:$0x16400] =	vst v63  }
0x9b: {  	s20 =	simm.s32 $0x980  }
0x9c: {  	[tilespmem:s1], [sflag:$0x1] =	stream.indirect.gather [hbm4b:s4+s24], $0x20, s20, s24, $0xb8;
	[tilespmem:$0x16400] =	vst v63  }
0x9d: {  	_ =	swait.ge [sflag:s12], $0x1000  }
0x9e: {  	[sflag:s12] =	ssyncset.done $0x0  }
0x9f: {  	[sflag:s12] =	ssyncadd.s32 $0xFFFFF000  }
0xa0: {  	_ =	swait.ge [sflag:s12], $0x1000  }
0xa1: {  	[sflag:s12] =	ssyncset.done $0x0  }
0xa2: {  	[sflag:s12] =	ssyncadd.s32 $0xFFFFF000  }
0xa3: {  	_ =	swait.ge [sflag:s12], $0x1000  }
0xa4: {  	[sflag:s12] =	ssyncset.done $0x0  }
0xa5: {  	[sflag:s12] =	ssyncadd.s32 $0xFFFFF000  }
0xa6: {  	_ =	swait.ge [sflag:s12], $0x1000  }
0xa7: {  	[sflag:s12] =	ssyncset.done $0x0  }
0xa8: {  	[sflag:s12] =	ssyncadd.s32 $0xFFFFF000  }
0xa9: {  	_ =	swait.ge [sflag:s18], $0x1000  }
0xaa: {  	[sflag:s18] =	ssyncset.done $0x0  }
0xab: {  	[sflag:s18] =	ssyncadd.s32 $0xFFFFF000  }
0xac: {  	_ =	swait.ge [sflag:s18], $0x1000  }
0xad: {  	[sflag:s18] =	ssyncset.done $0x0  }
0xae: {  	[sflag:s18] =	ssyncadd.s32 $0xFFFFF000  }
0xaf: {  	_ =	swait.ge [sflag:s18], $0x1000  }
0xb0: {  	[sflag:s18] =	ssyncset.done $0x0  }
0xb1: {  	[sflag:s18] =	ssyncadd.s32 $0xFFFFF000  }
0xb2: {  	_ =	swait.ge [sflag:s18], $0x1000  }
0xb3: {  	[sflag:s18] =	ssyncset.done $0x0  }
0xb4: {  	[sflag:s18] =	ssyncadd.s32 $0xFFFFF000  }
0xb5: {  	[bflag:$0x0] =	sbarrier.arrive $0xFFFF  }
0xb6: {  	s21 =	rddreg [dreg:$0x6]  }
0xb7: {  	s22 =	rddreg [dreg:$0x5];
	s5 =	sadd.s32 s3, s21  }
0xb8: {  	[hbm4b:s5+s24] =	stream.strided.scatter [tilespmem:s13], [sflag:$0x4], $0x1000, s25, s24, $0x38;
	[tilespmem:$0x16400] =	vst v63  }
0xb9: {  	s23 =	rddreg [dreg:$0x4];
	s20 =	sadd.s32 s3, s22  }
0xba: {  	[hbm4b:s20+s24] =	stream.strided.scatter [tilespmem:s14], [sflag:$0x4], $0x1000, s25, s24, $0x38;
	[tilespmem:$0x16400] =	vst v63  }
0xbb: {  	s26 =	rddreg [dreg:$0x3];
	s21 =	sadd.s32 s3, s23  }
0xbc: {  	[hbm4b:s21+s24] =	stream.strided.scatter [tilespmem:s15], [sflag:$0x4], $0x1000, s25, s24, $0x38;
	[tilespmem:$0x16400] =	vst v63  }
0xbd: {  	s5 =	sadd.s32 s3, s26  }
0xbe: {  	[hbm4b:s5+s24] =	stream.strided.scatter [tilespmem:s16], [sflag:$0x4], $0x1000, s25, s24, $0x38;
	[tilespmem:$0x16400] =	vst v63  }
0xbf: {  	s22 =	simm.s32 $0xA00  }
0xc0: {  	[tilespmem:s0], [sflag:$0x2] =	stream.indirect.gather [hbm4b:s4+s24], $0x20, s22, s24, $0xb8;
	[tilespmem:$0x16400] =	vst v63  }
0xc1: {  	s23 =	simm.s32 $0xA80;
	s26 =	simm.s32 $0xB00;
	s20 =	simm.s32 $0x1000  }
0xc2: {  	[tilespmem:s30], [sflag:$0x2] =	stream.indirect.gather [hbm4b:s4+s24], $0x20, s23, s24, $0xb8;
	[tilespmem:$0x16400] =	vst v63  }
0xc3: {  	s21 =	sadd.s32 $0x20000, s3;
	s5 =	simm.s32 $0xB80;
	s22 =	sadd.s32 $0x100000, s19  }
0xc4: {  	[tilespmem:s2], [sflag:$0x2] =	stream.indirect.gather [hbm4b:s4+s24], $0x20, s26, s24, $0xb8;
	[tilespmem:$0x16400] =	vst v63  }
.LBB2_2:
0xc5: {  	[tilespmem:s6], [sflag:$0x2] =	stream.indirect.gather [hbm4b:s4+s24], $0x20, s5, s24, $0xb8;
	[tilespmem:$0x16400] =	vst v63  }
0xc6: {  	_ =	swait.ge [sflag:s7], $0x1000  }
0xc7: {  	[sflag:s7] =	ssyncset.done $0x0  }
0xc8: {  	[sflag:s7] =	ssyncadd.s32 $0xFFFFF000  }
0xc9: {  	_ =	swait.ge [sflag:s7], $0x1000  }
0xca: {  	[sflag:s7] =	ssyncset.done $0x0  }
0xcb: {  	[sflag:s7] =	ssyncadd.s32 $0xFFFFF000  }
0xcc: {  	_ =	swait.ge [sflag:s7], $0x1000  }
0xcd: {  	[sflag:s7] =	ssyncset.done $0x0  }
0xce: {  	[sflag:s7] =	ssyncadd.s32 $0xFFFFF000  }
0xcf: {  	_ =	swait.ge [sflag:s7], $0x1000  }
0xd0: {  	[sflag:s7] =	ssyncset.done $0x0  }
0xd1: {  	[sflag:s7] =	ssyncadd.s32 $0xFFFFF000  }
0xd2: {  	_ =	swait.ge [sflag:s17], $0x1000  }
0xd3: {  	[sflag:s17] =	ssyncset.done $0x0  }
0xd4: {  	[sflag:s17] =	ssyncadd.s32 $0xFFFFF000  }
0xd5: {  	_ =	swait.ge [sflag:s17], $0x1000  }
0xd6: {  	[sflag:s17] =	ssyncset.done $0x0  }
0xd7: {  	[sflag:s17] =	ssyncadd.s32 $0xFFFFF000  }
0xd8: {  	_ =	swait.ge [sflag:s17], $0x1000  }
0xd9: {  	[sflag:s17] =	ssyncset.done $0x0  }
0xda: {  	[sflag:s17] =	ssyncadd.s32 $0xFFFFF000  }
0xdb: {  	_ =	swait.ge [sflag:s17], $0x1000  }
0xdc: {  	[sflag:s17] =	ssyncset.done $0x0  }
0xdd: {  	[sflag:s17] =	ssyncadd.s32 $0xFFFFF000  }
0xde: {  	s26 =	sshrl.u32 s22, $0x3;
	[bflag:$0x0] =	sbarrier.arrive $0xFFFF  }
0xdf: {  	s26 =	sadd.s32 s3, s26;
	s23 =	rddreg [dreg:$0x9]  }
0xe0: {  	[hbm4b:s26+s24] =	stream.strided.scatter [tilespmem:s8], [sflag:$0x3], $0x1000, s25, s24, $0x38;
	[tilespmem:$0x16400] =	vst v63  }
0xe1: {  	s19 =	rddreg [dreg:$0x8];
	s23 =	sadd.s32 s21, s23  }
0xe2: {  	[hbm4b:s23+s24] =	stream.strided.scatter [tilespmem:s9], [sflag:$0x3], $0x1000, s25, s24, $0x38;
	[tilespmem:$0x16400] =	vst v63  }
0xe3: {  	s5 =	smov.u32 s20;
	s26 =	rddreg [dreg:$0x7];
	s19 =	sadd.s32 s21, s19  }
0xe4: {  	[hbm4b:s19+s24] =	stream.strided.scatter [tilespmem:s10], [sflag:$0x3], $0x1000, s25, s24, $0x38;
	[tilespmem:$0x16400] =	vst v63  }
0xe5: {  	s5 =	sshra.s32 s5, $0x2;
	s26 =	sadd.s32 s21, s26  }
0xe6: {  	[hbm4b:s26+s24] =	stream.strided.scatter [tilespmem:s11], [sflag:$0x3], $0x1000, s25, s24, $0x38;
	[tilespmem:$0x16400] =	vst v63  }
0xe7: {  	s23 =	sadd.s32 $0x800, s5  }
0xe8: {  	[tilespmem:s28], [sflag:$0x1] =	stream.indirect.gather [hbm4b:s4+s24], $0x20, s23, s24, $0xb8;
	[tilespmem:$0x16400] =	vst v63  }
0xe9: {  	s26 =	sadd.s32 $0x880, s5  }
0xea: {  	[tilespmem:s29], [sflag:$0x1] =	stream.indirect.gather [hbm4b:s4+s24], $0x20, s26, s24, $0xb8;
	[tilespmem:$0x16400] =	vst v63  }
0xeb: {  	s23 =	sadd.s32 $0x900, s5  }
0xec: {  	[tilespmem:s31], [sflag:$0x1] =	stream.indirect.gather [hbm4b:s4+s24], $0x20, s23, s24, $0xb8;
	[tilespmem:$0x16400] =	vst v63  }
0xed: {  	s26 =	sadd.s32 $0x980, s5  }
0xee: {  	[tilespmem:s1], [sflag:$0x1] =	stream.indirect.gather [hbm4b:s4+s24], $0x20, s26, s24, $0xb8;
	[tilespmem:$0x16400] =	vst v63  }
0xef: {  	_ =	swait.ge [sflag:s12], $0x1000  }
0xf0: {  	[sflag:s12] =	ssyncset.done $0x0  }
0xf1: {  	[sflag:s12] =	ssyncadd.s32 $0xFFFFF000  }
0xf2: {  	_ =	swait.ge [sflag:s12], $0x1000  }
0xf3: {  	[sflag:s12] =	ssyncset.done $0x0  }
0xf4: {  	[sflag:s12] =	ssyncadd.s32 $0xFFFFF000  }
0xf5: {  	_ =	swait.ge [sflag:s12], $0x1000  }
0xf6: {  	[sflag:s12] =	ssyncset.done $0x0  }
0xf7: {  	[sflag:s12] =	ssyncadd.s32 $0xFFFFF000  }
0xf8: {  	_ =	swait.ge [sflag:s12], $0x1000  }
0xf9: {  	[sflag:s12] =	ssyncset.done $0x0  }
0xfa: {  	[sflag:s12] =	ssyncadd.s32 $0xFFFFF000  }
0xfb: {  	_ =	swait.ge [sflag:s18], $0x1000  }
0xfc: {  	[sflag:s18] =	ssyncset.done $0x0  }
0xfd: {  	[sflag:s18] =	ssyncadd.s32 $0xFFFFF000  }
0xfe: {  	_ =	swait.ge [sflag:s18], $0x1000  }
0xff: {  	[sflag:s18] =	ssyncset.done $0x0  }
0x100: {  	[sflag:s18] =	ssyncadd.s32 $0xFFFFF000  }
0x101: {  	_ =	swait.ge [sflag:s18], $0x1000  }
0x102: {  	[sflag:s18] =	ssyncset.done $0x0  }
0x103: {  	[sflag:s18] =	ssyncadd.s32 $0xFFFFF000  }
0x104: {  	_ =	swait.ge [sflag:s18], $0x1000  }
0x105: {  	[sflag:s18] =	ssyncset.done $0x0  }
0x106: {  	[sflag:s18] =	ssyncadd.s32 $0xFFFFF000  }
0x107: {  	[bflag:$0x0] =	sbarrier.arrive $0xFFFF  }
0x108: {  	s19 =	rddreg [dreg:$0x6]  }
0x109: {  	s23 =	rddreg [dreg:$0x5];
	s19 =	sadd.s32 s21, s19  }
0x10a: {  	[hbm4b:s19+s24] =	stream.strided.scatter [tilespmem:s13], [sflag:$0x4], $0x1000, s25, s24, $0x38;
	[tilespmem:$0x16400] =	vst v63  }
0x10b: {  	s26 =	rddreg [dreg:$0x4];
	s23 =	sadd.s32 s21, s23  }
0x10c: {  	[hbm4b:s23+s24] =	stream.strided.scatter [tilespmem:s14], [sflag:$0x4], $0x1000, s25, s24, $0x38;
	[tilespmem:$0x16400] =	vst v63  }
0x10d: {  	s28 =	rddreg [dreg:$0x3];
	s26 =	sadd.s32 s21, s26  }
0x10e: {  	[hbm4b:s26+s24] =	stream.strided.scatter [tilespmem:s15], [sflag:$0x4], $0x1000, s25, s24, $0x38;
	[tilespmem:$0x16400] =	vst v63  }
0x10f: {  	s23 =	sadd.s32 s21, s28  }
0x110: {  	[hbm4b:s23+s24] =	stream.strided.scatter [tilespmem:s16], [sflag:$0x4], $0x1000, s25, s24, $0x38;
	[tilespmem:$0x16400] =	vst v63  }
0x111: {  	p0 =	sne.s32 s20, $0x16000;
	s26 =	sadd.s32 $0xA00, s5  }
0x112: {  	[tilespmem:s0], [sflag:$0x2] =	stream.indirect.gather [hbm4b:s4+s24], $0x20, s26, s24, $0xb8;
	[tilespmem:$0x16400] =	vst v63  }
.Ltmp0:
0x113: {  	s20 =	sadd.s32 $0x1000, s20;
	(pc) =	sbr.rel @p0 .LBB2_2-.Ltmp0, $4  }
0x114: {  	s22 =	sadd.s32 $0x100000, s22;
	s28 =	simm.s32 $0x6400;
	s23 =	sadd.s32 $0xA80, s5  }
0x115: {  	[tilespmem:s30], [sflag:$0x2] =	stream.indirect.gather [hbm4b:s4+s24], $0x20, s23, s24, $0xb8;
	[tilespmem:$0x16400] =	vst v63  }
0x116: {  	s21 =	sadd.s32 $0x20000, s21;
	s26 =	sadd.s32 $0xB00, s5;
	s5 =	sadd.s32 $0xB80, s5  }
0x117: {  	[tilespmem:s2], [sflag:$0x2] =	stream.indirect.gather [hbm4b:s4+s24], $0x20, s26, s24, $0xb8;
	[tilespmem:$0x16400] =	vst v63  }
0x118: {  	[tilespmem:s6], [sflag:$0x2] =	stream.indirect.gather [hbm4b:s4+s24], $0x20, s5, s24, $0xb8;
	[tilespmem:$0x16400] =	vst v63  }
0x119: {  	_ =	swait.ge [sflag:s7], $0x1000  }
0x11a: {  	[sflag:s7] =	ssyncset.done $0x0  }
0x11b: {  	[sflag:s7] =	ssyncadd.s32 $0xFFFFF000  }
0x11c: {  	_ =	swait.ge [sflag:s7], $0x1000  }
0x11d: {  	[sflag:s7] =	ssyncset.done $0x0  }
0x11e: {  	[sflag:s7] =	ssyncadd.s32 $0xFFFFF000  }
0x11f: {  	_ =	swait.ge [sflag:s7], $0x1000  }
0x120: {  	[sflag:s7] =	ssyncset.done $0x0  }
0x121: {  	[sflag:s7] =	ssyncadd.s32 $0xFFFFF000  }
0x122: {  	_ =	swait.ge [sflag:s7], $0x1000  }
0x123: {  	[sflag:s7] =	ssyncset.done $0x0  }
0x124: {  	[sflag:s7] =	ssyncadd.s32 $0xFFFFF000  }
0x125: {  	_ =	swait.ge [sflag:s17], $0x1000  }
0x126: {  	[sflag:s17] =	ssyncset.done $0x0  }
0x127: {  	[sflag:s17] =	ssyncadd.s32 $0xFFFFF000  }
0x128: {  	_ =	swait.ge [sflag:s17], $0x1000  }
0x129: {  	[sflag:s17] =	ssyncset.done $0x0  }
0x12a: {  	[sflag:s17] =	ssyncadd.s32 $0xFFFFF000  }
0x12b: {  	_ =	swait.ge [sflag:s17], $0x1000  }
0x12c: {  	[sflag:s17] =	ssyncset.done $0x0  }
0x12d: {  	[sflag:s17] =	ssyncadd.s32 $0xFFFFF000  }
0x12e: {  	_ =	swait.ge [sflag:s17], $0x1000  }
0x12f: {  	[sflag:s17] =	ssyncset.done $0x0  }
0x130: {  	[sflag:s17] =	ssyncadd.s32 $0xFFFFF000  }
0x131: {  	[bflag:$0x0] =	sbarrier.arrive $0xFFFF  }
0x132: {  	s22 =	rddreg [dreg:$0x13]  }
0x133: {  	[hbm4b:s22+s24] =	stream.strided.scatter [tilespmem:s8], [sflag:$0x3], $0x1000, s25, s24, $0x38;
	[tilespmem:$0x16400] =	vst v63  }
0x134: {  	s23 =	rddreg [dreg:$0x14]  }
0x135: {  	[hbm4b:s23+s24] =	stream.strided.scatter [tilespmem:s9], [sflag:$0x3], $0x1000, s25, s24, $0x38;
	[tilespmem:$0x16400] =	vst v63  }
0x136: {  	s26 =	rddreg [dreg:$0x15]  }
0x137: {  	[hbm4b:s26+s24] =	stream.strided.scatter [tilespmem:s10], [sflag:$0x3], $0x1000, s25, s24, $0x38;
	[tilespmem:$0x16400] =	vst v63  }
0x138: {  	s19 =	rddreg [dreg:$0x16]  }
0x139: {  	[hbm4b:s19+s24] =	stream.strided.scatter [tilespmem:s11], [sflag:$0x3], $0x1000, s25, s24, $0x38;
	[tilespmem:$0x16400] =	vst v63  }
0x13a: {  	_ =	swait.ge [sflag:s12], $0x1000  }
0x13b: {  	[sflag:s12] =	ssyncset.done $0x0  }
0x13c: {  	[sflag:s12] =	ssyncadd.s32 $0xFFFFF000  }
0x13d: {  	_ =	swait.ge [sflag:s12], $0x1000  }
0x13e: {  	[sflag:s12] =	ssyncset.done $0x0  }
0x13f: {  	[sflag:s12] =	ssyncadd.s32 $0xFFFFF000  }
0x140: {  	_ =	swait.ge [sflag:s12], $0x1000  }
0x141: {  	[sflag:s12] =	ssyncset.done $0x0  }
0x142: {  	[sflag:s12] =	ssyncadd.s32 $0xFFFFF000  }
0x143: {  	_ =	swait.ge [sflag:s12], $0x1000  }
0x144: {  	[sflag:s12] =	ssyncset.done $0x0  }
0x145: {  	[sflag:s12] =	ssyncadd.s32 $0xFFFFF000  }
0x146: {  	_ =	swait.ge [sflag:s18], $0x1000  }
0x147: {  	[sflag:s18] =	ssyncset.done $0x0  }
0x148: {  	[sflag:s18] =	ssyncadd.s32 $0xFFFFF000  }
0x149: {  	_ =	swait.ge [sflag:s18], $0x1000  }
0x14a: {  	[sflag:s18] =	ssyncset.done $0x0  }
0x14b: {  	[sflag:s18] =	ssyncadd.s32 $0xFFFFF000  }
0x14c: {  	_ =	swait.ge [sflag:s18], $0x1000  }
0x14d: {  	[sflag:s18] =	ssyncset.done $0x0  }
0x14e: {  	[sflag:s18] =	ssyncadd.s32 $0xFFFFF000  }
0x14f: {  	_ =	swait.ge [sflag:s18], $0x1000  }
0x150: {  	[sflag:s18] =	ssyncset.done $0x0  }
0x151: {  	[sflag:s18] =	ssyncadd.s32 $0xFFFFF000  }
0x152: {  	[bflag:$0x0] =	sbarrier.arrive $0xFFFF  }
0x153: {  	s20 =	rddreg [dreg:$0x17]  }
0x154: {  	[hbm4b:s20+s24] =	stream.strided.scatter [tilespmem:s13], [sflag:$0x4], $0x1000, s25, s24, $0x38;
	[tilespmem:$0x16400] =	vst v63  }
0x155: {  	s21 =	rddreg [dreg:$0x18]  }
0x156: {  	[hbm4b:s21+s24] =	stream.strided.scatter [tilespmem:s14], [sflag:$0x4], $0x1000, s25, s24, $0x38;
	[tilespmem:$0x16400] =	vst v63  }
0x157: {  	s22 =	rddreg [dreg:$0x19]  }
0x158: {  	[hbm4b:s22+s24] =	stream.strided.scatter [tilespmem:s15], [sflag:$0x4], $0x1000, s25, s24, $0x38;
	[tilespmem:$0x16400] =	vst v63  }
0x159: {  	s23 =	rddreg [dreg:$0x1a]  }
0x15a: {  	[hbm4b:s23+s24] =	stream.strided.scatter [tilespmem:s16], [sflag:$0x4], $0x1000, s25, s24, $0x38;
	[tilespmem:$0x16400] =	vst v63  }
0x15b: {  	_ =	swait.ge [sflag:s17], $0x1000  }
0x15c: {  	[sflag:s17] =	ssyncset.done $0x0  }
0x15d: {  	[sflag:s17] =	ssyncadd.s32 $0xFFFFF000  }
0x15e: {  	_ =	swait.ge [sflag:s17], $0x1000  }
0x15f: {  	[sflag:s17] =	ssyncset.done $0x0  }
0x160: {  	[sflag:s17] =	ssyncadd.s32 $0xFFFFF000  }
0x161: {  	_ =	swait.ge [sflag:s17], $0x1000  }
0x162: {  	[sflag:s17] =	ssyncset.done $0x0  }
0x163: {  	[sflag:s17] =	ssyncadd.s32 $0xFFFFF000  }
0x164: {  	_ =	swait.ge [sflag:s17], $0x1000  }
0x165: {  	[sflag:s17] =	ssyncset.done $0x0  }
0x166: {  	[sflag:s17] =	ssyncadd.s32 $0xFFFFF000  }
0x167: {  	_ =	swait.ge [sflag:s18], $0x1000  }
0x168: {  	[sflag:s18] =	ssyncset.done $0x0  }
0x169: {  	[sflag:s18] =	ssyncadd.s32 $0xFFFFF000  }
0x16a: {  	_ =	swait.ge [sflag:s18], $0x1000  }
0x16b: {  	[sflag:s18] =	ssyncset.done $0x0  }
0x16c: {  	[sflag:s18] =	ssyncadd.s32 $0xFFFFF000  }
0x16d: {  	_ =	swait.ge [sflag:s18], $0x1000  }
0x16e: {  	[sflag:s18] =	ssyncset.done $0x0  }
0x16f: {  	[sflag:s18] =	ssyncadd.s32 $0xFFFFF000  }
0x170: {  	_ =	swait.ge [sflag:s18], $0x1000  }
0x171: {  	s19 =	rddreg [dreg:$0x1d]  }
0x172: {  	s26 =	rddreg [dreg:$0x1b];
	s19 =	sadd.s32 $0x1, s19  }
0x173: {  	p0 =	sne.s32 s19, s26  }
.Ltmp1:
0x174: {  	_ = 	snop;
	(pc) =	sbr.rel @p0 .LBB2_1-.Ltmp1, $3  }
0x175: {  	_ =	sdelay $0x1  }
0x176: {  	[sflag:s18] =	ssyncset.done $0x0  }
0x177: {  	[sflag:s18] =	ssyncadd.s32 $0xFFFFF000  }
0x178: {  	_ =	sfence.sel $0x180000  }
0x179: {  	[bflag:$0x0] =	sbarrier.arrive $0xFFFF  }
0x17a: {  	_ =	strace $0x90000047  }
0x17b: {  	s0 =	stileid.u32;
	[bflag:$0x2] =	sbarrier.arrive $0xFFFF  }
0x17c: {  	p0 =	sne.s32 s0, $0x0;
	s0 =	rddreg [dreg:$0x2]  }
0x17d: {  	s0 =	sadd.s32 @!p0 $0x100000, s0  }
0x17e: {  	[sflag:s0] =	ssyncadd.tile.s32 @!p0 $0x1;
	_ =	shalt  }
.Lfunc_end2:
_tile_overlayer_lowered:
.L_overlay_start_2:
0x17f: {  	(tag) =	ssettag $0x2  }
0x180: {  	s0 =	rddreg [dreg:$0x0];
	s2 =	stileid.u32  }
0x181: {  	s1 =	rddreg [dreg:$0x1];
	p0 =	sne.s32 s2, $0x0  }
0x182: {  	s3 =	rddreg [dreg:$0x2];
	[bflag:$0x3] =	sbarrier.arrive $0xFFFF;
	s2 =	simm.s32 @!p0 $0x1C05  }
0x183: {  	[timem:s3], [sflag:s2] =	dma.local @!p0 [hbm:s0], s1  }
0x184: {  	s0 =	simm.s32 @!p0 $0x5  }
0x185: {  	_ =	swait.ge @!p0 [sflag:s0], s1  }
0x186: {  	s1 =	ssub.s32 @!p0 $0x0, s1;
	[sflag:s0] =	ssyncset.done @!p0 $0x0  }
0x187: {  	[sflag:s0] =	ssyncadd.s32 @!p0 s1  }
0x188: {  	[bflag:$0x3] =	sbarrier.arrive $0xFFFF  }
0x189: {  	_ =	shalt  }

</sc_bundles>
